<compile_context>
chip_gen: v7x
topology: tpu7x:2x2x1
jax: 0.10.2.dev20260603
libtpu: 0.0.44.dev20260713+nightly
codegen_flags: <defaults>
</compile_context>

<pallas_src>
import functools

import jax
import jax.numpy as jnp
from jax.experimental import pallas as pl
from jax.experimental.pallas import tpu as pltpu
from jax.experimental.pallas import tpu_sc as plsc

_SC_CORES = 2
_SC_SUBCORES = 16


def _sc_scatter_rows(src, slot, b_out, chunk):
    nw = _SC_CORES * _SC_SUBCORES
    b, d = src.shape
    b_per_w = b // nw
    mesh = plsc.VectorSubcoreMesh(core_axis_name="c", subcore_axis_name="s")

    @functools.partial(
        pl.kernel, mesh=mesh,
        out_type=jax.ShapeDtypeStruct((b_out, d), src.dtype),
        scratch_types=[
            pltpu.VMEM((chunk,), jnp.int32),
            pltpu.VMEM((chunk, d), src.dtype),
            pltpu.SemaphoreType.DMA,
        ],
    )
    def scatter_kernel(src_hbm, slot_hbm, out_hbm, slot_v, rows_v, sem):
        wid = jax.lax.axis_index("s") * _SC_CORES + jax.lax.axis_index("c")
        base = wid * b_per_w
        for ch in range(b_per_w // chunk):
            off = base + ch * chunk
            pltpu.sync_copy(slot_hbm.at[pl.ds(off, chunk)], slot_v)
            pltpu.sync_copy(src_hbm.at[pl.ds(off, chunk)], rows_v)
            pltpu.async_copy(rows_v, out_hbm.at[slot_v], sem).wait()

    return scatter_kernel(src, slot)


def _routed_body(tiles_ref, y_ref, xs_ref, wc_ref, w_ref, out_ref,
                 acc_ref, xt_ref,
                 *, cutoffs, block_n, tile_n, n_tiles, mixed_blocks,
                 kstarts, nbs):
    d = pl.program_id(0)
    k = pl.program_id(1)
    c = d // 2
    t = jax.lax.rem(d, 2)

    def nb_of(cc):
        return jnp.where(cc == 0, nbs[0], jnp.where(cc == 1, nbs[1], nbs[2]))

    def kstart_of(cc):
        return jnp.where(cc == 0, kstarts[0],
                         jnp.where(cc == 1, kstarts[1], kstarts[2]))

    def active(dd):
        return jax.lax.rem(dd, 2) < tiles_ref[dd // 2]

    nb = nb_of(c)
    jj = kstart_of(c) + k
    run = (t < tiles_ref[c]) & (k < nb)
    y = y_ref[0]
    c1, c2, c3 = cutoffs[1], cutoffs[2], cutoffs[3]

    @pl.when(run & (k == 0))
    def _init():
        acc_ref[0:2, :] = jnp.zeros_like(acc_ref[0:2, :])
        xt_ref[...] = xs_ref[...].T.astype(jnp.bfloat16)
        ccl = jax.lax.dot_general(
            wc_ref[...], xt_ref[...],
            dimension_numbers=(((0,), (0,)), ((), ())),
            preferred_element_type=jnp.float32)
        mm = jnp.max(ccl, axis=0, keepdims=True)
        lse = mm + jnp.log(jnp.sum(jnp.exp(ccl - mm), axis=0, keepdims=True))
        pick = jnp.where(c == 0, ccl[0:1, :],
                         jnp.where(c == 1, ccl[1:2, :], ccl[2:3, :]))
        acc_ref[2:3, :] = pick - lse

    @pl.when(run)
    def _main():
        z = jax.lax.dot_general(
            w_ref[...].astype(jnp.bfloat16), xt_ref[...],
            dimension_numbers=(((0,), (0,)), ((), ())),
            preferred_element_type=jnp.float32)
        cols = jj * block_n + jax.lax.broadcasted_iota(
            jnp.int32, (block_n, 1), 0)
        is_mixed = (jj == mixed_blocks[0]) | (jj == mixed_blocks[1]) \
            | (jj == mixed_blocks[2])

        acc_ref[1:2, :] += jnp.sum(jnp.where(cols == y, z, 0.0), axis=0,
                                   keepdims=True)

        @pl.when(jnp.logical_not(is_mixed))
        def _pure():
            acc_ref[0:1, :] += jnp.sum(jnp.exp(z), axis=0, keepdims=True)

        @pl.when(is_mixed)
        def _mixed():
            l = jnp.where(y < c1, 0, jnp.where(y < c2, c1, c2))
            r = jnp.where(y < c1, c1, jnp.where(y < c2, c2, c3))
            mask = (cols >= l) & (cols < r)
            e = jnp.where(mask, jnp.exp(z), 0.0)
            acc_ref[0:1, :] += jnp.sum(e, axis=0, keepdims=True)

    @pl.when(run & (k == nb - 1))
    def _fin():
        out_ref[0] = -acc_ref[2:3, :] - acc_ref[1:2, :] \
            + jnp.log(acc_ref[0:1, :])


def _routed_nll(x, y, wc_t, logits, cutoffs, block_n, tile_n, interpret=False):
    n_tok, hidden = x.shape
    vocab = logits.shape[1]
    ncl = wc_t.shape[1]
    cap = 2 * tile_n
    n_tiles = 2 * ncl

    c1, c2 = cutoffs[1], cutoffs[2]
    ct = (y >= c1).astype(jnp.int32) + (y >= c2).astype(jnp.int32)
    m0 = ct == 0
    m1 = ct == 1
    packed = m0.astype(jnp.int32) + (m1.astype(jnp.int32) << 16)
    cs = jnp.cumsum(packed)
    cs0 = cs & 0xFFFF
    cs1 = cs >> 16
    t_idx = jnp.arange(n_tok, dtype=jnp.int32)
    rank = jnp.where(m0, cs0 - 1, jnp.where(m1, cs1 - 1, t_idx - cs0 - cs1))
    slot = ct * cap + rank
    n0 = cs0[-1]
    n1 = cs1[-1]
    counts = jnp.stack([n0, n1, n_tok - n0 - n1]).astype(jnp.int32)
    tiles = (counts + (tile_n - 1)) // tile_n
    if interpret:
        xs = jnp.zeros((ncl * cap, hidden), x.dtype).at[slot].set(x)
    else:
        xs = _sc_scatter_rows(x, slot, ncl * cap, chunk=64)
    ys = jnp.zeros((ncl * cap,), jnp.int32).at[slot].set(y).reshape(
        n_tiles, 1, tile_n)

    kstarts = tuple(cutoffs[i] // block_n for i in range(ncl))
    kends = tuple(-(-cutoffs[i + 1] // block_n) for i in range(ncl))
    nbs = tuple(kends[i] - kstarts[i] for i in range(ncl))
    n_blocks = kends[-1]
    mixed = (cutoffs[1] // block_n, cutoffs[2] // block_n, n_blocks - 1)


    out = pl.pallas_call(
        functools.partial(_routed_body, cutoffs=cutoffs, block_n=block_n,
                          tile_n=tile_n, n_tiles=n_tiles, mixed_blocks=mixed,
                          kstarts=kstarts, nbs=nbs),
        grid_spec=pltpu.PrefetchScalarGridSpec(
            num_scalar_prefetch=1,
            grid=(n_tiles, max(nbs)),
            in_specs=[
                pl.BlockSpec((1, 1, tile_n), lambda d, k, s: (d, 0, 0)),
                pl.BlockSpec((tile_n, hidden),
                             lambda d, k, s: (jnp.where(
                                 jax.lax.rem(d, 2) < s[d // 2], d, 0), 0)),
                pl.BlockSpec((hidden, ncl), lambda d, k, s: (0, 0)),
                pl.BlockSpec(
                    (hidden, block_n),
                    lambda d, k, s, _ks=kstarts, _nb=nbs: _w_index(
                        d, k, s, _ks, _nb)),
            ],
            out_specs=pl.BlockSpec((1, 1, tile_n), lambda d, k, s: (d, 0, 0)),
            scratch_shapes=[
                pltpu.VMEM((8, tile_n), jnp.float32),
                pltpu.VMEM((hidden, tile_n), jnp.bfloat16),
            ],
        ),
        out_shape=jax.ShapeDtypeStruct((n_tiles, 1, tile_n), jnp.float32),
        compiler_params=pltpu.CompilerParams(
            dimension_semantics=("arbitrary", "arbitrary")),
        interpret=interpret,
    )(tiles, ys, xs, wc_t.astype(jnp.bfloat16), logits)
    return out.reshape(ncl * cap)[slot]


def _w_index(d, k, s, kstarts, nbs):
    c = d // 2
    t = jax.lax.rem(d, 2)
    nb = jnp.where(c == 0, nbs[0], jnp.where(c == 1, nbs[1], nbs[2]))
    kstart = jnp.where(c == 0, kstarts[0],
                       jnp.where(c == 1, kstarts[1], kstarts[2]))
    jj = jnp.where(t < s[c], kstart + jnp.minimum(k, nb - 1), kstart)
    return (0, jj)


def kernel(x, y, W_cluster, logits):
    return _routed_nll(x, y, W_cluster.T, logits,
                       cutoffs=(0, 20000, 60000, 100000),
                       block_n=1024, tile_n=1024)

# --- scband reference (transcript-rebuilt; emitter-appended) ---
"""Pipeline reference for scband-factorized-softmax-v2-10273561772327 (READ-ONLY COPY).

The authoritative reference and input builder live on the scoring server;
editing this copy changes nothing except your own understanding.
"""

import jax, jax.numpy as jnp
import numpy as np

VOCAB = 100000
HIDDEN = 1024
N_TOK = 2048
CUTOFFS = [0, 20000, 60000, 100000]
N_CLUSTERS = 3

def setup_inputs(seed: int = 0) -> dict:
    key = jax.random.key(seed)
    k1, k2, k3, k4 = jax.random.split(key, 4)
    x = jax.random.normal(k1, (N_TOK, HIDDEN), dtype=jnp.float32)
    y = jax.random.randint(k2, (N_TOK,), 0, VOCAB, dtype=jnp.int32)
    # learned params: cluster_logit weight [n_clusters, hidden] (nn.Linear, no bias), logits [hidden, vocab]
    W_cluster = jax.random.normal(k3, (N_CLUSTERS, HIDDEN), dtype=jnp.float32) * 0.02
    logits = jax.random.normal(k4, (HIDDEN, VOCAB), dtype=jnp.float32) * 0.02
    return {"x": x, "y": y, "W_cluster": W_cluster, "logits": logits}

def reference(x, y, W_cluster, logits):
    # cl = self.cluster_logit(x)
    cl = x @ W_cluster.T
    cluster_ll = jax.nn.log_softmax(cl, axis=1)
    nll = jnp.zeros((y.shape[0],), dtype=x.dtype)
    for i in range(N_CLUSTERS):
        l, r = CUTOFFS[i], CUTOFFS[i + 1]
        mask = (y >= l) & (y < r)
        # tail logits for this cluster's vocab slice (computed densely, selected by mask,
        # mathematically identical to torch's index_select version)
        tail_logit = x @ logits[:, l:r]
        tail_logprob = jax.nn.log_softmax(tail_logit, axis=1)
        target_i = jnp.clip(y - l, 0, r - l - 1)
        picked = jnp.take_along_axis(tail_logprob, target_i[:, None], axis=1).squeeze(1)
        nll = jnp.where(mask, -cluster_ll[:, i] - picked, nll)
    return nll

if __name__ == "__main__":
    import jax
    _d = setup_inputs()
    print(jax.jit(kernel)(*tuple(_d.values())))

</pallas_src>

<mosaic_0001>
#map = affine_map<(d0, d1) -> (0, 0)>
#map1 = affine_map<(d0, d1) -> (0)>
module attributes {stable_mosaic.version = 14 : i64} {
  func.func @scatter_kernel(%arg0: i32, %arg1: i32, %arg2: memref<2048x1024xf32, #tpu.memory_space<hbm>>, %arg3: memref<2048xi32, #tpu.memory_space<hbm>>, %arg4: memref<6144x1024xf32, #tpu.memory_space<hbm>>, %arg5: memref<64xi32, #tpu.memory_space<vmem>>, %arg6: memref<64x1024xf32, #tpu.memory_space<vmem>>, %arg7: memref<!tpu.dma_semaphore, #tpu.memory_space<semaphore_mem>>) attributes {dimension_semantics = [#tpu.dimension_semantics<core_parallel>, #tpu.dimension_semantics<subcore_parallel>], iteration_bounds = array<i64: 2, 16>, scalar_prefetch = 0 : i64, scratch_operands = 3 : i64, tpu.core_type = #tpu.core_type<sc_vector_subcore>, window_params = [{transform_indices = #map}, {transform_indices = #map1}, {transform_indices = #map}]} {
    %mul3A = arith.constant 2 : i32
    %mul3A_0 = arith.muli %arg1, %mul3A : i32
    %add3A = arith.addi %mul3A_0, %arg0 : i32
    %mul3A_1 = arith.constant 64 : i32
    %mul3A_2 = arith.muli %add3A, %mul3A_1 : i32
    %add3A_3 = arith.constant 0 : i32
    %add3A_4 = arith.addi %mul3A_2, %add3A_3 : i32
    "tpu.region"() ({
      %run_scoped3A = tpu.sem_alloc : memref<!tpu.dma_semaphore, #tpu.memory_space<semaphore_mem>>
      %dma_start3A_9 = tpu.memref_slice %arg3[%add3A_4] : memref<2048xi32, #tpu.memory_space<hbm>> -> memref<64xi32, #tpu.memory_space<hbm>>
      %dma_start3A_10 = tpu.memref_slice %arg3[%add3A_4] : memref<2048xi32, #tpu.memory_space<hbm>> -> memref<64xi32, #tpu.memory_space<hbm>>
      tpu.enqueue_dma source(%dma_start3A_10 : memref<64xi32, #tpu.memory_space<hbm>>) target(%arg5 : memref<64xi32, #tpu.memory_space<vmem>>) target_semaphore(%run_scoped3A : memref<!tpu.dma_semaphore, #tpu.memory_space<semaphore_mem>>)
      %dma_wait3A_11 = tpu.memref_slice %arg3[%add3A_4] : memref<2048xi32, #tpu.memory_space<hbm>> -> memref<64xi32, #tpu.memory_space<hbm>>
      %dma_wait3A_12 = tpu.memref_slice %arg3[%add3A_4] : memref<2048xi32, #tpu.memory_space<hbm>> -> memref<64xi32, #tpu.memory_space<hbm>>
      tpu.wait_dma2 semaphore(%run_scoped3A : memref<!tpu.dma_semaphore, #tpu.memory_space<semaphore_mem>>) src(%dma_wait3A_12 : memref<64xi32, #tpu.memory_space<hbm>>) dst(%arg5 : memref<64xi32, #tpu.memory_space<vmem>>)
      tpu.yield
    }) : () -> ()
    "tpu.region"() ({
      %run_scoped3A = tpu.sem_alloc : memref<!tpu.dma_semaphore, #tpu.memory_space<semaphore_mem>>
      %dma_start3A_9 = arith.constant 0 : i32
      %dma_start3A_10 = tpu.memref_slice %arg2[%add3A_4, %dma_start3A_9] : memref<2048x1024xf32, #tpu.memory_space<hbm>> -> memref<64x1024xf32, #tpu.memory_space<hbm>>
      %dma_start3A_11 = arith.constant 0 : i32
      %dma_start3A_12 = tpu.memref_slice %arg2[%add3A_4, %dma_start3A_11] : memref<2048x1024xf32, #tpu.memory_space<hbm>> -> memref<64x1024xf32, #tpu.memory_space<hbm>>
      tpu.enqueue_dma source(%dma_start3A_12 : memref<64x1024xf32, #tpu.memory_space<hbm>>) target(%arg6 : memref<64x1024xf32, #tpu.memory_space<vmem>>) target_semaphore(%run_scoped3A : memref<!tpu.dma_semaphore, #tpu.memory_space<semaphore_mem>>)
      %dma_wait3A_13 = arith.constant 0 : i32
      %dma_wait3A_14 = tpu.memref_slice %arg2[%add3A_4, %dma_wait3A_13] : memref<2048x1024xf32, #tpu.memory_space<hbm>> -> memref<64x1024xf32, #tpu.memory_space<hbm>>
      %dma_wait3A_15 = arith.constant 0 : i32
      %dma_wait3A_16 = tpu.memref_slice %arg2[%add3A_4, %dma_wait3A_15] : memref<2048x1024xf32, #tpu.memory_space<hbm>> -> memref<64x1024xf32, #tpu.memory_space<hbm>>
      tpu.wait_dma2 semaphore(%run_scoped3A : memref<!tpu.dma_semaphore, #tpu.memory_space<semaphore_mem>>) src(%dma_wait3A_16 : memref<64x1024xf32, #tpu.memory_space<hbm>>) dst(%arg6 : memref<64x1024xf32, #tpu.memory_space<vmem>>)
      tpu.yield
    }) : () -> ()
    %dma_start3A = arith.constant 0 : i32
    %dma_start3A_5 = arith.constant 0 : i32
    %dma_start3A_6 = tpu.memref_slice %arg4[%dma_start3A, %dma_start3A_5] : memref<6144x1024xf32, #tpu.memory_space<hbm>> -> memref<6144x1024xf32, #tpu.memory_space<hbm>>
    tpu.enqueue_indirect_dma source(%arg6 : memref<64x1024xf32, #tpu.memory_space<vmem>>) target(%dma_start3A_6 : memref<6144x1024xf32, #tpu.memory_space<hbm>>) offsets(%arg5 : memref<64xi32, #tpu.memory_space<vmem>>) semaphore(%arg7 : memref<!tpu.dma_semaphore, #tpu.memory_space<semaphore_mem>>)
    %dma_wait3A = arith.constant 0 : i32
    %dma_wait3A_7 = arith.constant 0 : i32
    %dma_wait3A_8 = tpu.memref_slice %arg4[%dma_wait3A, %dma_wait3A_7] : memref<6144x1024xf32, #tpu.memory_space<hbm>> -> memref<6144x1024xf32, #tpu.memory_space<hbm>>
    tpu.wait_indirect_dma semaphore(%arg7 : memref<!tpu.dma_semaphore, #tpu.memory_space<semaphore_mem>>) src(%arg6 : memref<64x1024xf32, #tpu.memory_space<vmem>>) dst(%dma_wait3A_8 : memref<6144x1024xf32, #tpu.memory_space<hbm>>)
    return
  }
}

module attributes {stable_mosaic.version = 14 : i64} {
  func.func @_routed_body(%arg0: i32, %arg1: i32, %arg2: memref<3xi32, #tpu.memory_space<smem>>, %arg3: memref<1x1x1024xi32, #tpu.memory_space<vmem>>, %arg4: memref<1024x1024xf32, #tpu.memory_space<vmem>>, %arg5: memref<1024x3xbf16, #tpu.memory_space<vmem>>, %arg6: memref<1024x1024xf32, #tpu.memory_space<vmem>>, %arg7: memref<1x1x1024xf32, #tpu.memory_space<vmem>>, %arg8: memref<8x1024xf32, #tpu.memory_space<vmem>>, %arg9: memref<1024x1024xbf16, #tpu.memory_space<vmem>>) attributes {dimension_semantics = [#tpu.dimension_semantics<arbitrary>, #tpu.dimension_semantics<arbitrary>], iteration_bounds = array<i64: 6, 40>, scalar_prefetch = 1 : i64, scratch_operands = 2 : i64, tpu.core_type = #tpu.core_type<tc>, window_params = [{transform_indices = @transform_0, window_bounds = array<i64: 1, 1, 1024>}, {transform_indices = @transform_1, window_bounds = array<i64: 1024, 1024>}, {pipeline_mode = #tpu.pipeline_mode<synchronous>, transform_indices = @transform_2, window_bounds = array<i64: 1024, 3>}, {transform_indices = @transform_3, window_bounds = array<i64: 1024, 1024>}, {transform_indices = @transform_4, window_bounds = array<i64: 1, 1, 1024>}]} {
    %jit3A = arith.constant 2 : i32
    %div3A = arith.divsi %arg0, %jit3A : i32
    %sign3A = arith.constant 0 : i32
    %sign3A_0 = arith.cmpi sgt, %arg0, %sign3A : i32
    %sign3A_1 = arith.extui %sign3A_0 : i1 to i32
    %sign3A_2 = arith.constant 0 : i32
    %sign3A_3 = arith.cmpi slt, %arg0, %sign3A_2 : i32
    %sign3A_4 = arith.extui %sign3A_3 : i1 to i32
    %sign3A_5 = arith.subi %sign3A_1, %sign3A_4 : i32
    %sign3A_6 = arith.constant 0 : i32
    %sign3A_7 = arith.cmpi sgt, %jit3A, %sign3A_6 : i32
    %sign3A_8 = arith.extui %sign3A_7 : i1 to i32
    %sign3A_9 = arith.constant 0 : i32
    %sign3A_10 = arith.cmpi slt, %jit3A, %sign3A_9 : i32
    %sign3A_11 = arith.extui %sign3A_10 : i1 to i32
    %sign3A_12 = arith.subi %sign3A_8, %sign3A_11 : i32
    %ne3A = arith.cmpi ne, %sign3A_5, %sign3A_12 : i32
    %rem3A = arith.remsi %arg0, %jit3A : i32
    %ne3A_13 = arith.constant 0 : i32
    %ne3A_14 = arith.cmpi ne, %rem3A, %ne3A_13 : i32
    %and3A = arith.andi %ne3A, %ne3A_14 : i1
    %sub3A = arith.constant 1 : i32
    %sub3A_15 = arith.subi %div3A, %sub3A : i32
    %select_n3A = arith.select %and3A, %sub3A_15, %div3A : i32
    %rem3A_16 = arith.constant 2 : i32
    %rem3A_17 = arith.remsi %arg0, %rem3A_16 : i32
    %eq3A = arith.constant 0 : i32
    %eq3A_18 = arith.cmpi eq, %select_n3A, %eq3A : i32
    %eq3A_19 = arith.constant 1 : i32
    %eq3A_20 = arith.cmpi eq, %select_n3A, %eq3A_19 : i32
    %jit3A_21 = arith.constant 40 : i32
    %jit3A_22 = arith.constant 40 : i32
    %select_n3A_23 = arith.select %eq3A_20, %jit3A_21, %jit3A_22 : i32
    %jit3A_24 = arith.constant 20 : i32
    %select_n3A_25 = arith.select %eq3A_18, %jit3A_24, %select_n3A_23 : i32
    %eq3A_26 = arith.constant 0 : i32
    %eq3A_27 = arith.cmpi eq, %select_n3A, %eq3A_26 : i32
    %eq3A_28 = arith.constant 1 : i32
    %eq3A_29 = arith.cmpi eq, %select_n3A, %eq3A_28 : i32
    %jit3A_30 = arith.constant 19 : i32
    %jit3A_31 = arith.constant 58 : i32
    %select_n3A_32 = arith.select %eq3A_29, %jit3A_30, %jit3A_31 : i32
    %jit3A_33 = arith.constant 0 : i32
    %select_n3A_34 = arith.select %eq3A_27, %jit3A_33, %select_n3A_32 : i32
    %add3A = arith.addi %select_n3A_34, %arg1 : i32
    %get3A = arith.index_cast %select_n3A : i32 to index
    %get3A_35 = memref.load %arg2[%get3A] : memref<3xi32, #tpu.memory_space<smem>>
    %lt3A = arith.cmpi slt, %rem3A_17, %get3A_35 : i32
    %lt3A_36 = arith.cmpi slt, %arg1, %select_n3A_25 : i32
    %and3A_37 = arith.andi %lt3A, %lt3A_36 : i1
    %get3A_38 = arith.constant 0 : index
    %get3A_39 = arith.constant 0 : index
    %get3A_40 = arith.constant 0 : index
    %get3A_41 = vector.load %arg3[%get3A_38, %get3A_39, %get3A_40] : memref<1x1x1024xi32, #tpu.memory_space<vmem>>, vector<1x1x1024xi32>
    %get3A_42 = vector.shape_cast %get3A_41 : vector<1x1x1024xi32> to vector<1x1024xi32>
    %eq3A_43 = arith.constant 0 : i32
    %eq3A_44 = arith.cmpi eq, %arg1, %eq3A_43 : i32
    %and3A_45 = arith.andi %and3A_37, %eq3A_44 : i1
    %convert_element_type3A = arith.extui %and3A_45 : i1 to i32
    %cond3A = arith.constant 0 : i32
    %cond3A_46 = arith.cmpi ne, %convert_element_type3A, %cond3A : i32
    scf.if %cond3A_46 {
      %broadcast_in_dim3A = arith.constant 0.000000e+00 : f32
      %broadcast_in_dim3A_57 = vector.broadcast %broadcast_in_dim3A : f32 to vector<2x1024xf32>
      %swap3A = arith.constant 0 : index
      %swap3A_58 = arith.constant 0 : index
      %swap3A_59 = vector.load %arg8[%swap3A, %swap3A_58] : memref<8x1024xf32, #tpu.memory_space<vmem>>, vector<2x1024xf32>
      tpu.vector_store %arg8[%swap3A, %swap3A_58], %broadcast_in_dim3A_57 {strides = array<i32>} : memref<8x1024xf32, #tpu.memory_space<vmem>>, vector<2x1024xf32>,
      %get3A_60 = arith.constant 0 : index
      %get3A_61 = arith.constant 0 : index
      %get3A_62 = vector.load %arg4[%get3A_60, %get3A_61] : memref<1024x1024xf32, #tpu.memory_space<vmem>>, vector<1024x1024xf32>
      %transpose3A = tpu.transpose %get3A_62, [1, 0] : vector<1024x1024xf32> -> vector<1024x1024xf32>
      %convert_element_type3A_63 = arith.truncf %transpose3A : vector<1024x1024xf32> to vector<1024x1024xbf16>
      %swap3A_64 = arith.constant 0 : index
      %swap3A_65 = arith.constant 0 : index
      %swap3A_66 = vector.load %arg9[%swap3A_64, %swap3A_65] : memref<1024x1024xbf16, #tpu.memory_space<vmem>>, vector<1024x1024xbf16>
      tpu.vector_store %arg9[%swap3A_64, %swap3A_65], %convert_element_type3A_63 {strides = array<i32>} : memref<1024x1024xbf16, #tpu.memory_space<vmem>>, vector<1024x1024xbf16>,
      %get3A_67 = arith.constant 0 : index
      %get3A_68 = arith.constant 0 : index
      %get3A_69 = vector.load %arg5[%get3A_67, %get3A_68] : memref<1024x3xbf16, #tpu.memory_space<vmem>>, vector<1024x3xbf16>
      %get3A_70 = arith.constant 0 : index
      %get3A_71 = arith.constant 0 : index
      %get3A_72 = vector.load %arg9[%get3A_70, %get3A_71] : memref<1024x1024xbf16, #tpu.memory_space<vmem>>, vector<1024x1024xbf16>
      %dot_general3A = arith.constant dense<0.000000e+00> : vector<3x1024xf32>
      %dot_general3A_73 = tpu.matmul %get3A_69, %get3A_72, %dot_general3A {dimension_numbers = #tpu.dot_dimension_numbers<[0], [0], [1], [1], [0, 1, 1, 1], [], []>, transpose_lhs_hint = false} : vector<1024x3xbf16>, vector<1024x1024xbf16>, vector<3x1024xf32> -> vector<3x1024xf32>
      %reduce_max3A = arith.constant dense<0xFF800000> : vector<1024xf32>
      %reduce_max3A_74 = vector.multi_reduction <maximumf>, %dot_general3A_73, %reduce_max3A [0] : vector<3x1024xf32> to vector<1024xf32>
      %broadcast_in_dim3A_75 = vector.shape_cast %reduce_max3A_74 : vector<1024xf32> to vector<1x1024xf32>
      %sub3A_76 = vector.broadcast %broadcast_in_dim3A_75 : vector<1x1024xf32> to vector<3x1024xf32>
      %sub3A_77 = arith.subf %dot_general3A_73, %sub3A_76 : vector<3x1024xf32>
      %exp3A = math.exp %sub3A_77 : vector<3x1024xf32>
      %reduce_sum3A = arith.constant dense<0.000000e+00> : vector<1024xf32>
      %reduce_sum3A_78 = vector.multi_reduction <add>, %exp3A, %reduce_sum3A [0] : vector<3x1024xf32> to vector<1024xf32>
      %broadcast_in_dim3A_79 = vector.shape_cast %reduce_sum3A_78 : vector<1024xf32> to vector<1x1024xf32>
      %log3A = math.log %broadcast_in_dim3A_79 : vector<1x1024xf32>
      %add3A_80 = arith.addf %broadcast_in_dim3A_75, %log3A : vector<1x1024xf32>
      %eq3A_81 = arith.constant 0 : i32
      %eq3A_82 = arith.cmpi eq, %select_n3A, %eq3A_81 : i32
      %slice3A = vector.extract_strided_slice %dot_general3A_73 {offsets = [0, 0], sizes = [1, 1024], strides = [1, 1]} : vector<3x1024xf32> to vector<1x1024xf32>
      %eq3A_83 = arith.constant 1 : i32
      %eq3A_84 = arith.cmpi eq, %select_n3A, %eq3A_83 : i32
      %slice3A_85 = vector.extract_strided_slice %dot_general3A_73 {offsets = [1, 0], sizes = [1, 1024], strides = [1, 1]} : vector<3x1024xf32> to vector<1x1024xf32>
      %slice3A_86 = vector.extract_strided_slice %dot_general3A_73 {offsets = [2, 0], sizes = [1, 1024], strides = [1, 1]} : vector<3x1024xf32> to vector<1x1024xf32>
      %select_n3A_87 = arith.select %eq3A_84, %slice3A_85, %slice3A_86 : vector<1x1024xf32>
      %select_n3A_88 = arith.select %eq3A_82, %slice3A, %select_n3A_87 : vector<1x1024xf32>
      %sub3A_89 = arith.subf %select_n3A_88, %add3A_80 : vector<1x1024xf32>
      %swap3A_90 = arith.constant 2 : index
      %swap3A_91 = arith.constant 0 : index
      %swap3A_92 = vector.load %arg8[%swap3A_90, %swap3A_91] : memref<8x1024xf32, #tpu.memory_space<vmem>>, vector<1x1024xf32>
      tpu.vector_store %arg8[%swap3A_90, %swap3A_91], %sub3A_89 {strides = array<i32>} : memref<8x1024xf32, #tpu.memory_space<vmem>>, vector<1x1024xf32>,
    } else {
    }
    %convert_element_type3A_47 = arith.extui %and3A_37 : i1 to i32
    %cond3A_48 = arith.constant 0 : i32
    %cond3A_49 = arith.cmpi ne, %convert_element_type3A_47, %cond3A_48 : i32
    scf.if %cond3A_49 {
      %get3A_57 = arith.constant 0 : index
      %get3A_58 = arith.constant 0 : index
      %get3A_59 = vector.load %arg6[%get3A_57, %get3A_58] : memref<1024x1024xf32, #tpu.memory_space<vmem>>, vector<1024x1024xf32>
      %convert_element_type3A_60 = arith.truncf %get3A_59 : vector<1024x1024xf32> to vector<1024x1024xbf16>
      %get3A_61 = arith.constant 0 : index
      %get3A_62 = arith.constant 0 : index
      %get3A_63 = vector.load %arg9[%get3A_61, %get3A_62] : memref<1024x1024xbf16, #tpu.memory_space<vmem>>, vector<1024x1024xbf16>
      %dot_general3A = arith.constant dense<0.000000e+00> : vector<1024x1024xf32>
      %dot_general3A_64 = tpu.matmul %convert_element_type3A_60, %get3A_63, %dot_general3A {dimension_numbers = #tpu.dot_dimension_numbers<[0], [0], [1], [1], [0, 1, 1, 1], [], []>, transpose_lhs_hint = false} : vector<1024x1024xbf16>, vector<1024x1024xbf16>, vector<1024x1024xf32> -> vector<1024x1024xf32>
      %mul3A = arith.constant 1024 : i32
      %mul3A_65 = arith.muli %add3A, %mul3A : i32
      %iota3A = tpu.iota {dimensions = array<i32: 0>} : vector<1024x1xi32>
      %add3A_66 = vector.broadcast %mul3A_65 : i32 to vector<1024x1xi32>
      %add3A_67 = arith.addi %add3A_66, %iota3A : vector<1024x1xi32>
      %eq3A_68 = arith.constant 19 : i32
      %eq3A_69 = arith.cmpi eq, %add3A, %eq3A_68 : i32
      %eq3A_70 = arith.constant 58 : i32
      %eq3A_71 = arith.cmpi eq, %add3A, %eq3A_70 : i32
      %or3A = arith.ori %eq3A_69, %eq3A_71 : i1
      %eq3A_72 = arith.constant 97 : i32
      %eq3A_73 = arith.cmpi eq, %add3A, %eq3A_72 : i32
      %or3A_74 = arith.ori %or3A, %eq3A_73 : i1
      %get3A_75 = arith.constant 1 : index
      %get3A_76 = arith.constant 0 : index
      %get3A_77 = vector.load %arg8[%get3A_75, %get3A_76] : memref<8x1024xf32, #tpu.memory_space<vmem>>, vector<1x1024xf32>
      %eq3A_78 = vector.broadcast %add3A_67 : vector<1024x1xi32> to vector<1024x1024xi32>
      %eq3A_79 = vector.broadcast %get3A_42 : vector<1x1024xi32> to vector<1024x1024xi32>
      %eq3A_80 = arith.cmpi eq, %eq3A_78, %eq3A_79 : vector<1024x1024xi32>
      %jit3A_81 = arith.constant 0.000000e+00 : f32
      %broadcast_in_dim3A = vector.broadcast %jit3A_81 : f32 to vector<1024x1024xf32>
      %select_n3A_82 = arith.select %eq3A_80, %dot_general3A_64, %broadcast_in_dim3A : vector<1024x1024xi1>, vector<1024x1024xf32>
      %reduce_sum3A = arith.constant dense<0.000000e+00> : vector<1024xf32>
      %reduce_sum3A_83 = vector.multi_reduction <add>, %select_n3A_82, %reduce_sum3A [0] : vector<1024x1024xf32> to vector<1024xf32>
      %broadcast_in_dim3A_84 = vector.shape_cast %reduce_sum3A_83 : vector<1024xf32> to vector<1x1024xf32>
      %add3A_85 = arith.addf %get3A_77, %broadcast_in_dim3A_84 : vector<1x1024xf32>
      %swap3A = arith.constant 1 : index
      %swap3A_86 = arith.constant 0 : index
      %swap3A_87 = vector.load %arg8[%swap3A, %swap3A_86] : memref<8x1024xf32, #tpu.memory_space<vmem>>, vector<1x1024xf32>
      tpu.vector_store %arg8[%swap3A, %swap3A_86], %add3A_85 {strides = array<i32>} : memref<8x1024xf32, #tpu.memory_space<vmem>>, vector<1x1024xf32>,
      %not3A = arith.constant true
      %not3A_88 = arith.xori %or3A_74, %not3A : i1
      %convert_element_type3A_89 = arith.extui %not3A_88 : i1 to i32
      %cond3A_90 = arith.constant 0 : i32
      %cond3A_91 = arith.cmpi ne, %convert_element_type3A_89, %cond3A_90 : i32
      scf.if %cond3A_91 {
        %get3A_95 = arith.constant 0 : index
        %get3A_96 = arith.constant 0 : index
        %get3A_97 = vector.load %arg8[%get3A_95, %get3A_96] : memref<8x1024xf32, #tpu.memory_space<vmem>>, vector<1x1024xf32>
        %exp3A = math.exp %dot_general3A_64 : vector<1024x1024xf32>
        %reduce_sum3A_98 = arith.constant dense<0.000000e+00> : vector<1024xf32>
        %reduce_sum3A_99 = vector.multi_reduction <add>, %exp3A, %reduce_sum3A_98 [0] : vector<1024x1024xf32> to vector<1024xf32>
        %broadcast_in_dim3A_100 = vector.shape_cast %reduce_sum3A_99 : vector<1024xf32> to vector<1x1024xf32>
        %add3A_101 = arith.addf %get3A_97, %broadcast_in_dim3A_100 : vector<1x1024xf32>
        %swap3A_102 = arith.constant 0 : index
        %swap3A_103 = arith.constant 0 : index
        %swap3A_104 = vector.load %arg8[%swap3A_102, %swap3A_103] : memref<8x1024xf32, #tpu.memory_space<vmem>>, vector<1x1024xf32>
        tpu.vector_store %arg8[%swap3A_102, %swap3A_103], %add3A_101 {strides = array<i32>} : memref<8x1024xf32, #tpu.memory_space<vmem>>, vector<1x1024xf32>,
      } else {
      }
      %convert_element_type3A_92 = arith.extui %or3A_74 : i1 to i32
      %cond3A_93 = arith.constant 0 : i32
      %cond3A_94 = arith.cmpi ne, %convert_element_type3A_92, %cond3A_93 : i32
      scf.if %cond3A_94 {
        %lt3A_95 = arith.constant 20000 : i32
        %lt3A_96 = vector.broadcast %lt3A_95 : i32 to vector<1x1024xi32>
        %lt3A_97 = arith.cmpi slt, %get3A_42, %lt3A_96 : vector<1x1024xi32>
        %lt3A_98 = arith.constant 60000 : i32
        %lt3A_99 = vector.broadcast %lt3A_98 : i32 to vector<1x1024xi32>
        %lt3A_100 = arith.cmpi slt, %get3A_42, %lt3A_99 : vector<1x1024xi32>
        %jit3A_101 = arith.constant 20000 : i32
        %jit3A_102 = arith.constant 60000 : i32
        %broadcast_in_dim3A_103 = vector.broadcast %jit3A_101 : i32 to vector<1x1024xi32>
        %broadcast_in_dim3A_104 = vector.broadcast %jit3A_102 : i32 to vector<1x1024xi32>
        %select_n3A_105 = arith.select %lt3A_100, %broadcast_in_dim3A_103, %broadcast_in_dim3A_104 : vector<1x1024xi1>, vector<1x1024xi32>
        %jit3A_106 = arith.constant 0 : i32
        %broadcast_in_dim3A_107 = vector.broadcast %jit3A_106 : i32 to vector<1x1024xi32>
        %select_n3A_108 = arith.select %lt3A_97, %broadcast_in_dim3A_107, %select_n3A_105 : vector<1x1024xi1>, vector<1x1024xi32>
        %lt3A_109 = arith.constant 20000 : i32
        %lt3A_110 = vector.broadcast %lt3A_109 : i32 to vector<1x1024xi32>
        %lt3A_111 = arith.cmpi slt, %get3A_42, %lt3A_110 : vector<1x1024xi32>
        %lt3A_112 = arith.constant 60000 : i32
        %lt3A_113 = vector.broadcast %lt3A_112 : i32 to vector<1x1024xi32>
        %lt3A_114 = arith.cmpi slt, %get3A_42, %lt3A_113 : vector<1x1024xi32>
        %jit3A_115 = arith.constant 60000 : i32
        %jit3A_116 = arith.constant 100000 : i32
        %broadcast_in_dim3A_117 = vector.broadcast %jit3A_115 : i32 to vector<1x1024xi32>
        %broadcast_in_dim3A_118 = vector.broadcast %jit3A_116 : i32 to vector<1x1024xi32>
        %select_n3A_119 = arith.select %lt3A_114, %broadcast_in_dim3A_117, %broadcast_in_dim3A_118 : vector<1x1024xi1>, vector<1x1024xi32>
        %jit3A_120 = arith.constant 20000 : i32
        %broadcast_in_dim3A_121 = vector.broadcast %jit3A_120 : i32 to vector<1x1024xi32>
        %select_n3A_122 = arith.select %lt3A_111, %broadcast_in_dim3A_121, %select_n3A_119 : vector<1x1024xi1>, vector<1x1024xi32>
        %ge3A = vector.broadcast %add3A_67 : vector<1024x1xi32> to vector<1024x1024xi32>
        %ge3A_123 = vector.broadcast %select_n3A_108 : vector<1x1024xi32> to vector<1024x1024xi32>
        %ge3A_124 = arith.cmpi sge, %ge3A, %ge3A_123 : vector<1024x1024xi32>
        %lt3A_125 = vector.broadcast %add3A_67 : vector<1024x1xi32> to vector<1024x1024xi32>
        %lt3A_126 = vector.broadcast %select_n3A_122 : vector<1x1024xi32> to vector<1024x1024xi32>
        %lt3A_127 = arith.cmpi slt, %lt3A_125, %lt3A_126 : vector<1024x1024xi32>
        %and3A_128 = arith.andi %ge3A_124, %lt3A_127 : vector<1024x1024xi1>
        %exp3A = math.exp %dot_general3A_64 : vector<1024x1024xf32>
        %jit3A_129 = arith.constant 0.000000e+00 : f32
        %broadcast_in_dim3A_130 = vector.broadcast %jit3A_129 : f32 to vector<1024x1024xf32>
        %select_n3A_131 = arith.select %and3A_128, %exp3A, %broadcast_in_dim3A_130 : vector<1024x1024xi1>, vector<1024x1024xf32>
        %get3A_132 = arith.constant 0 : index
        %get3A_133 = arith.constant 0 : index
        %get3A_134 = vector.load %arg8[%get3A_132, %get3A_133] : memref<8x1024xf32, #tpu.memory_space<vmem>>, vector<1x1024xf32>
        %reduce_sum3A_135 = arith.constant dense<0.000000e+00> : vector<1024xf32>
        %reduce_sum3A_136 = vector.multi_reduction <add>, %select_n3A_131, %reduce_sum3A_135 [0] : vector<1024x1024xf32> to vector<1024xf32>
        %broadcast_in_dim3A_137 = vector.shape_cast %reduce_sum3A_136 : vector<1024xf32> to vector<1x1024xf32>
        %add3A_138 = arith.addf %get3A_134, %broadcast_in_dim3A_137 : vector<1x1024xf32>
        %swap3A_139 = arith.constant 0 : index
        %swap3A_140 = arith.constant 0 : index
        %swap3A_141 = vector.load %arg8[%swap3A_139, %swap3A_140] : memref<8x1024xf32, #tpu.memory_space<vmem>>, vector<1x1024xf32>
        tpu.vector_store %arg8[%swap3A_139, %swap3A_140], %add3A_138 {strides = array<i32>} : memref<8x1024xf32, #tpu.memory_space<vmem>>, vector<1x1024xf32>,
      } else {
      }
    } else {
    }
    %sub3A_50 = arith.constant 1 : i32
    %sub3A_51 = arith.subi %select_n3A_25, %sub3A_50 : i32
    %eq3A_52 = arith.cmpi eq, %arg1, %sub3A_51 : i32
    %and3A_53 = arith.andi %and3A_37, %eq3A_52 : i1
    %convert_element_type3A_54 = arith.extui %and3A_53 : i1 to i32
    %cond3A_55 = arith.constant 0 : i32
    %cond3A_56 = arith.cmpi ne, %convert_element_type3A_54, %cond3A_55 : i32
    scf.if %cond3A_56 {
      %get3A_57 = arith.constant 2 : index
      %get3A_58 = arith.constant 0 : index
      %get3A_59 = vector.load %arg8[%get3A_57, %get3A_58] : memref<8x1024xf32, #tpu.memory_space<vmem>>, vector<1x1024xf32>
      %neg3A = arith.constant 0.000000e+00 : f32
      %neg3A_60 = vector.broadcast %neg3A : f32 to vector<1x1024xf32>
      %neg3A_61 = arith.subf %neg3A_60, %get3A_59 : vector<1x1024xf32>
      %get3A_62 = arith.constant 1 : index
      %get3A_63 = arith.constant 0 : index
      %get3A_64 = vector.load %arg8[%get3A_62, %get3A_63] : memref<8x1024xf32, #tpu.memory_space<vmem>>, vector<1x1024xf32>
      %sub3A_65 = arith.subf %neg3A_61, %get3A_64 : vector<1x1024xf32>
      %get3A_66 = arith.constant 0 : index
      %get3A_67 = arith.constant 0 : index
      %get3A_68 = vector.load %arg8[%get3A_66, %get3A_67] : memref<8x1024xf32, #tpu.memory_space<vmem>>, vector<1x1024xf32>
      %log3A = math.log %get3A_68 : vector<1x1024xf32>
      %add3A_69 = arith.addf %sub3A_65, %log3A : vector<1x1024xf32>
      %swap3A = arith.constant 0 : index
      %swap3A_70 = arith.constant 0 : index
      %swap3A_71 = arith.constant 0 : index
      %swap3A_72 = vector.load %arg7[%swap3A, %swap3A_70, %swap3A_71] : memref<1x1x1024xf32, #tpu.memory_space<vmem>>, vector<1x1x1024xf32>
      %swap3A_73 = vector.shape_cast %swap3A_72 : vector<1x1x1024xf32> to vector<1x1024xf32>
      %swap3A_74 = vector.shape_cast %add3A_69 : vector<1x1024xf32> to vector<1x1x1024xf32>
      tpu.vector_store %arg7[%swap3A, %swap3A_70, %swap3A_71], %swap3A_74 {strides = array<i32>} : memref<1x1x1024xf32, #tpu.memory_space<vmem>>, vector<1x1x1024xf32>,
    } else {
    }
    return
  }
  func.func @transform_0(%arg0: i32, %arg1: i32, %arg2: memref<3xi32, #tpu.memory_space<smem>>) -> (i32, i32, i32) {
    %c0_i32 = arith.constant 0 : i32
    %c0_i32_0 = arith.constant 0 : i32
    %c0_i32_1 = arith.constant 0 : i32
    return %arg0, %c0_i32, %c0_i32_0 : i32, i32, i32
  }
  func.func @transform_1(%arg0: i32, %arg1: i32, %arg2: memref<3xi32, #tpu.memory_space<smem>>) -> (i32, i32) {
    %rem3A = arith.constant 2 : i32
    %rem3A_0 = arith.remsi %arg0, %rem3A : i32
    %jit3A = arith.constant 2 : i32
    %div3A = arith.divsi %arg0, %jit3A : i32
    %sign3A = arith.constant 0 : i32
    %sign3A_1 = arith.cmpi sgt, %arg0, %sign3A : i32
    %sign3A_2 = arith.extui %sign3A_1 : i1 to i32
    %sign3A_3 = arith.constant 0 : i32
    %sign3A_4 = arith.cmpi slt, %arg0, %sign3A_3 : i32
    %sign3A_5 = arith.extui %sign3A_4 : i1 to i32
    %sign3A_6 = arith.subi %sign3A_2, %sign3A_5 : i32
    %sign3A_7 = arith.constant 0 : i32
    %sign3A_8 = arith.cmpi sgt, %jit3A, %sign3A_7 : i32
    %sign3A_9 = arith.extui %sign3A_8 : i1 to i32
    %sign3A_10 = arith.constant 0 : i32
    %sign3A_11 = arith.cmpi slt, %jit3A, %sign3A_10 : i32
    %sign3A_12 = arith.extui %sign3A_11 : i1 to i32
    %sign3A_13 = arith.subi %sign3A_9, %sign3A_12 : i32
    %ne3A = arith.cmpi ne, %sign3A_6, %sign3A_13 : i32
    %rem3A_14 = arith.remsi %arg0, %jit3A : i32
    %ne3A_15 = arith.constant 0 : i32
    %ne3A_16 = arith.cmpi ne, %rem3A_14, %ne3A_15 : i32
    %and3A = arith.andi %ne3A, %ne3A_16 : i1
    %sub3A = arith.constant 1 : i32
    %sub3A_17 = arith.subi %div3A, %sub3A : i32
    %select_n3A = arith.select %and3A, %sub3A_17, %div3A : i32
    %get3A = arith.index_cast %select_n3A : i32 to index
    %get3A_18 = memref.load %arg2[%get3A] : memref<3xi32, #tpu.memory_space<smem>>
    %lt3A = arith.cmpi slt, %rem3A_0, %get3A_18 : i32
    %jit3A_19 = arith.constant 0 : i32
    %select_n3A_20 = arith.select %lt3A, %arg0, %jit3A_19 : i32
    %c0_i32 = arith.constant 0 : i32
    %c0_i32_21 = arith.constant 0 : i32
    return %select_n3A_20, %c0_i32 : i32, i32
  }
  func.func @transform_2(%arg0: i32, %arg1: i32, %arg2: memref<3xi32, #tpu.memory_space<smem>>) -> (i32, i32) {
    %c0_i32 = arith.constant 0 : i32
    %c0_i32_0 = arith.constant 0 : i32
    %c0_i32_1 = arith.constant 0 : i32
    return %c0_i32, %c0_i32_0 : i32, i32
  }
  func.func @transform_3(%arg0: i32, %arg1: i32, %arg2: memref<3xi32, #tpu.memory_space<smem>>) -> (i32, i32) {
    %jit3A = arith.constant 2 : i32
    %div3A = arith.divsi %arg0, %jit3A : i32
    %sign3A = arith.constant 0 : i32
    %sign3A_0 = arith.cmpi sgt, %arg0, %sign3A : i32
    %sign3A_1 = arith.extui %sign3A_0 : i1 to i32
    %sign3A_2 = arith.constant 0 : i32
    %sign3A_3 = arith.cmpi slt, %arg0, %sign3A_2 : i32
    %sign3A_4 = arith.extui %sign3A_3 : i1 to i32
    %sign3A_5 = arith.subi %sign3A_1, %sign3A_4 : i32
    %sign3A_6 = arith.constant 0 : i32
    %sign3A_7 = arith.cmpi sgt, %jit3A, %sign3A_6 : i32
    %sign3A_8 = arith.extui %sign3A_7 : i1 to i32
    %sign3A_9 = arith.constant 0 : i32
    %sign3A_10 = arith.cmpi slt, %jit3A, %sign3A_9 : i32
    %sign3A_11 = arith.extui %sign3A_10 : i1 to i32
    %sign3A_12 = arith.subi %sign3A_8, %sign3A_11 : i32
    %ne3A = arith.cmpi ne, %sign3A_5, %sign3A_12 : i32
    %rem3A = arith.remsi %arg0, %jit3A : i32
    %ne3A_13 = arith.constant 0 : i32
    %ne3A_14 = arith.cmpi ne, %rem3A, %ne3A_13 : i32
    %and3A = arith.andi %ne3A, %ne3A_14 : i1
    %sub3A = arith.constant 1 : i32
    %sub3A_15 = arith.subi %div3A, %sub3A : i32
    %select_n3A = arith.select %and3A, %sub3A_15, %div3A : i32
    %rem3A_16 = arith.constant 2 : i32
    %rem3A_17 = arith.remsi %arg0, %rem3A_16 : i32
    %eq3A = arith.constant 0 : i32
    %eq3A_18 = arith.cmpi eq, %select_n3A, %eq3A : i32
    %eq3A_19 = arith.constant 1 : i32
    %eq3A_20 = arith.cmpi eq, %select_n3A, %eq3A_19 : i32
    %jit3A_21 = arith.constant 40 : i32
    %jit3A_22 = arith.constant 40 : i32
    %select_n3A_23 = arith.select %eq3A_20, %jit3A_21, %jit3A_22 : i32
    %jit3A_24 = arith.constant 20 : i32
    %select_n3A_25 = arith.select %eq3A_18, %jit3A_24, %select_n3A_23 : i32
    %eq3A_26 = arith.constant 0 : i32
    %eq3A_27 = arith.cmpi eq, %select_n3A, %eq3A_26 : i32
    %eq3A_28 = arith.constant 1 : i32
    %eq3A_29 = arith.cmpi eq, %select_n3A, %eq3A_28 : i32
    %jit3A_30 = arith.constant 19 : i32
    %jit3A_31 = arith.constant 58 : i32
    %select_n3A_32 = arith.select %eq3A_29, %jit3A_30, %jit3A_31 : i32
    %jit3A_33 = arith.constant 0 : i32
    %select_n3A_34 = arith.select %eq3A_27, %jit3A_33, %select_n3A_32 : i32
    %get3A = arith.index_cast %select_n3A : i32 to index
    %get3A_35 = memref.load %arg2[%get3A] : memref<3xi32, #tpu.memory_space<smem>>
    %lt3A = arith.cmpi slt, %rem3A_17, %get3A_35 : i32
    %sub3A_36 = arith.constant 1 : i32
    %sub3A_37 = arith.subi %select_n3A_25, %sub3A_36 : i32
    %min3A = arith.minsi %arg1, %sub3A_37 : i32
    %add3A = arith.addi %select_n3A_34, %min3A : i32
    %select_n3A_38 = arith.select %lt3A, %add3A, %select_n3A_34 : i32
    %c0_i32 = arith.constant 0 : i32
    %c0_i32_39 = arith.constant 0 : i32
    return %c0_i32, %select_n3A_38 : i32, i32
  }
  func.func @transform_4(%arg0: i32, %arg1: i32, %arg2: memref<3xi32, #tpu.memory_space<smem>>) -> (i32, i32, i32) {
    %c0_i32 = arith.constant 0 : i32
    %c0_i32_0 = arith.constant 0 : i32
    %c0_i32_1 = arith.constant 0 : i32
    return %arg0, %c0_i32, %c0_i32_0 : i32, i32, i32
  }
}

</mosaic_0001>

<sc_bundles>
// kernel: gather_offload_async_start
scs
__scs_entry_jumppad:
0x0: {  	(pc) =	sbr.rel $0x88, $3  }
0x1: {  	(tag) =	ssettag $0x0;
	lr =	simm.s32 $0x1  }
0x2: {  	[smem:$0x3F9D] =	sst lr;
	_ =	strace $0xD0000000  }
0x3: {  	_ = 	snop  }
0x4: {  	_ = 	snop  }
0x5: {  	_ = 	snop  }
0x6: {  	_ = 	snop  }
0x7: {  	_ = 	snop  }
__scs_overlays_trampoline_lowered:
0x8: {  	[smem:$0x3FAC] =	sst s0  }
0x9: {  	[smem:$0x3FAD] =	sst s1  }
0xa: {  	[smem:$0x3FAE] =	sst s2  }
0xb: {  	[smem:$0x3FAF] =	sst s3  }
0xc: {  	[smem:$0x3FB0] =	sst s4  }
0xd: {  	[smem:$0x3FB1] =	sst s5  }
0xe: {  	[smem:$0x3FB2] =	sst s6  }
0xf: {  	[smem:$0x3FB3] =	sst s7  }
0x10: {  	[smem:$0x3FB4] =	sst s8  }
0x11: {  	[smem:$0x3FB5] =	sst s9;
	s0 =	simm.s32 @!p0 $0x0  }
0x12: {  	s1 =	sld [smem:$0x3F9B];
	s0 =	simm.s32 @p0 $0x1  }
0x13: {  	[smem:$0x3FB6] =	sst s0;
	s0 =	simm.s32 @!p1 $0x0  }
0x14: {  	s2 =	sld [smem:$0x3F9A];
	s0 =	simm.s32 @p1 $0x1  }
0x15: {  	[smem:$0x3FB7] =	sst s0;
	s0 =	simm.s32 @!p2 $0x0  }
0x16: {  	s3 =	sld [smem:$0x3FDB];
	s0 =	simm.s32 @p2 $0x1  }
0x17: {  	s4 =	simm.s32 $0x1BF5;
	[smem:$0x3FB9] =	sst s0  }
0x18: {  	s0 =	sld [smem:$0x3F9C];
	_ =	swait.ge [sflag:s4], $0x0  }
0x19: {  	s7 =	sld [smem:$0x3F9D]  }
0x1a: {  	s8 =	sadd.s32 $0xFFFFE003, lr  }
0x1b: {  	s9 =	sadd.s32 $0xFFFFFEF7, lr;
	s5 =	simm.s32 $0xFFFFFFFF;
	p2 =	slt.u32 s8, $0xFFFFF086  }
0x1c: {  	p1 =	slt.u32 s9, $0xF7A;
	s5 =	simm.s32 @!p2 $0x0  }
0x1d: {  	s5 =	simm.s32 @p1 $0x1;
	p0 =	seq.s32 s7, s2  }
0x1e: {  	s7 =	smul.u32 @!p0 $0xF7A, s2;
	p2 =	seq.s32 @!p0 s5, $0x0  }
0x1f: {  	s9 =	smul.u32 $0xF7A, s1;
	s8 =	simm.s32 @!p0 $0x1BF5;
	p2 =	por !p2, p0  }
0x20: {  	[sflag:s8] =	ssyncset.s32 @!p0 $0xFFFFF086;
	s6 =	sadd.s32 @!p0 s3, s7;
	s7 =	simm.s32 @!p0 $0x108  }
0x21: {  	s3 =	sadd.s32 s3, s9;
	s6 =	sadd.s32 @!p0 $0x88, s6;
	s7 =	simm.s32 @p2 $0x1082  }
0x22: {  	[simem:s7], [sflag:s8] =	dma.local @!p0 [hbm:s6], $0xF7A  }
0x23: {  	s9 =	sor.u32 $0xD0000000, s2;
	s6 =	simm.s32 $0x108;
	_ =	swait.ge @!p0 [sflag:s8], $0x0  }
0x24: {  	s3 =	sadd.s32 $0x88, s3;
	s6 =	simm.s32 @!p1 $0x1082;
	[sflag:s4] =	ssyncset.s32 $0xFFFFF086  }
0x25: {  	[simem:s6], [sflag:s4] =	dma.local [hbm:s3], $0xF7A  }
0x26: {  	[smem:$0x3F9D] =	sst s1;
	(tag) =	ssettag s2;
	_ =	strace s9  }
0x27: {  	s1 =	sld [smem:$0x3FAD]  }
0x28: {  	s2 =	sld [smem:$0x3FAE]  }
0x29: {  	s4 =	sld [smem:$0x3FB0]  }
0x2a: {  	p0 =	seq.s32 s5, $0x0;
	s5 =	sld [smem:$0x3FB1]  }
0x2b: {  	s6 =	sld [smem:$0x3FB2]  }
0x2c: {  	s7 =	sld [smem:$0x3FB3]  }
0x2d: {  	s3 =	simm.s32 $0x108;
	s8 =	sld [smem:$0x3FB4]  }
0x2e: {  	s3 =	simm.s32 @!p0 $0x1082;
	s9 =	sld [smem:$0x3FB5]  }
0x2f: {  	lr =	sadd.s32 s0, s3;
	s0 =	sld [smem:$0x3FAC]  }
0x30: {  	s3 =	sld [smem:$0x3FAF]  }
0x31: {  	[smem:$0x3FB8] =	sst s10  }
0x32: {  	s10 =	sld [smem:$0x3FB6];
	_ =	sdelay $0x3  }
0x33: {  	p0 =	seq.s32 s10, $0x1;
	s10 =	sld [smem:$0x3FB8];
	_ =	sdelay $0x3  }
0x34: {  	[smem:$0x3FB8] =	sst s10  }
0x35: {  	s10 =	sld [smem:$0x3FB7];
	_ =	sdelay $0x3  }
0x36: {  	p1 =	seq.s32 s10, $0x1;
	s10 =	sld [smem:$0x3FB8];
	_ =	sdelay $0x3  }
0x37: {  	[smem:$0x3FB8] =	sst s10  }
0x38: {  	s10 =	sld [smem:$0x3FB9]  }
0x39: {  	_ = 	snop;
	(pc) =	sbr.ind lr, $3  }
0x3a: {  	_ = 	snop  }
0x3b: {  	_ = 	snop  }
0x3c: {  	p2 =	seq.s32 s10, $0x1;
	s10 =	sld [smem:$0x3FB8]  }
0x3d: {  	_ =	shalt  }
0x3e: {  	_ =	shalt  }
0x3f: {  	_ =	shalt  }
0x40: {  	_ =	shalt  }
0x41: {  	_ =	shalt  }
0x42: {  	_ =	shalt  }
0x43: {  	_ =	shalt  }
0x44: {  	_ =	shalt  }
0x45: {  	_ =	shalt  }
0x46: {  	_ =	shalt  }
0x47: {  	_ =	shalt  }
0x48: {  	_ =	shalt  }
0x49: {  	_ =	shalt  }
0x4a: {  	_ =	shalt  }
0x4b: {  	_ =	shalt  }
0x4c: {  	_ =	shalt  }
0x4d: {  	_ =	shalt  }
0x4e: {  	_ =	shalt  }
0x4f: {  	_ =	shalt  }
0x50: {  	_ =	shalt  }
0x51: {  	_ =	shalt  }
0x52: {  	_ =	shalt  }
0x53: {  	_ =	shalt  }
0x54: {  	_ =	shalt  }
0x55: {  	_ =	shalt  }
0x56: {  	_ =	shalt  }
0x57: {  	_ =	shalt  }
0x58: {  	_ =	shalt  }
0x59: {  	_ =	shalt  }
0x5a: {  	_ =	shalt  }
0x5b: {  	_ =	shalt  }
0x5c: {  	_ =	shalt  }
0x5d: {  	_ =	shalt  }
0x5e: {  	_ =	shalt  }
0x5f: {  	_ =	shalt  }
0x60: {  	_ =	shalt  }
0x61: {  	_ =	shalt  }
0x62: {  	_ =	shalt  }
0x63: {  	_ =	shalt  }
0x64: {  	_ =	shalt  }
0x65: {  	_ =	shalt  }
0x66: {  	_ =	shalt  }
0x67: {  	_ =	shalt  }
0x68: {  	_ =	shalt  }
0x69: {  	_ =	shalt  }
0x6a: {  	_ =	shalt  }
0x6b: {  	_ =	shalt  }
0x6c: {  	_ =	shalt  }
0x6d: {  	_ =	shalt  }
0x6e: {  	_ =	shalt  }
0x6f: {  	_ =	shalt  }
0x70: {  	_ =	shalt  }
0x71: {  	_ =	shalt  }
0x72: {  	_ =	shalt  }
0x73: {  	_ =	shalt  }
0x74: {  	_ =	shalt  }
0x75: {  	_ =	shalt  }
0x76: {  	_ =	shalt  }
0x77: {  	_ =	shalt  }
0x78: {  	_ =	shalt  }
0x79: {  	_ =	shalt  }
0x7a: {  	_ =	shalt  }
0x7b: {  	_ =	shalt  }
0x7c: {  	_ =	shalt  }
0x7d: {  	_ =	shalt  }
0x7e: {  	_ =	shalt  }
0x7f: {  	_ =	shalt  }
0x80: {  	_ =	shalt  }
0x81: {  	_ =	shalt  }
0x82: {  	_ =	shalt  }
0x83: {  	_ =	shalt  }
0x84: {  	_ =	shalt  }
0x85: {  	_ =	shalt  }
0x86: {  	_ =	shalt  }
0x87: {  	_ =	shalt  }
.Lfunc_end0:
.L_simem_size_0:
called_computation_lowered:
.L_overlay_start_0:
0x88: {  	s2 =	sld [smem:$0x3FD9]  }
0x89: {  	s3 =	sld [smem:$0x3FFE];
	_ =	sdelay $0x1  }
0x8a: {  	s1 =	srdreg.scid  }
0x8b: {  	s0 =	sand.u32 $0x1, s1  }
0x8c: {  	s17 =	sshll.u32 s0, $0xA;
	s2 =	sadd.s32 s3, s2  }
0x8d: {  	s2 =	sadd.s32 s2, s17  }
0x8e: {  	[smem:$0x3FC4] =	sst s2  }
0x8f: {  	_ = 	snop  }
0x90: {  	s2 =	sld [smem:$0x3FD0];
	(tm) =	ssettm $0x1  }
0x91: {  	s18 =	sld [smem:$0x3FFB];
	_ =	sdelay $0x3  }
0x92: {  	_ =	strace s18  }
0x93: {  	s3 =	sld [smem:$0x3FFC];
	_ =	sdelay $0x3  }
0x94: {  	_ =	strace s3  }
0x95: {  	s3 =	sld [smem:$0x3FFD];
	_ =	sdelay $0x3  }
0x96: {  	_ =	strace s3  }
0x97: {  	_ =	strace $0x8FFFFFFF  }
0x98: {  	s19 =	sld [smem:$0x3FDB];
	_ =	sdelay $0x1  }
0x99: {  	s4 =	simm.s32 $_scs_section_size  }
0x9a: {  	s5 =	simm.s32 $_size__tile_overlayer_lowered;
	s6 =	simm.s32 $_tile_overlayer_lowered  }
0x9b: {  	s22 =	simm.s32 $0x1BFF;
	s21 =	sshll.u32 s6, $0x1;
	s3 =	sadd.s32 s4, s19  }
0x9c: {  	s7 =	simm.s32 $0x0;
	s20 =	sshll.u32 s5, $0x1;
	s5 =	sadd.s32 s21, s3  }
0x9d: {  	[timem:s7], [sflag:s22] =	dma.local [hbm:s5], s20  }
0x9e: {  	_ =	swait.ge [sflag:s22], s20  }
0x9f: {  	s4 =	ssub.s32 $0x0, s20;
	[sflag:s22] =	ssyncset.done $0x0  }
0xa0: {  	[sflag:s22] =	ssyncadd.s32 s4;
	_ =	sdelay $0x1  }
0xa1: {  	s23 =	simm.s32 $0x1B8B  }
0xa2: {  	_ =	swait.ge [sflag:s23], $0x1  }
0xa3: {  	[sflag:s23] =	ssyncset.done $0x0  }
0xa4: {  	s25 =	simm.s32 $0x1B8E;
	s24 =	sld [smem:$0x3FFE];
	[sflag:s23] =	ssyncadd.s32 $0xFFFFFFFF  }
0xa5: {  	s26 =	simm.s32 $execute0_lowered;
	[smem:$0x3FD2] =	sst s25  }
0xa6: {  	s5 =	sshll.u32 s26, $0x1;
	_ =	strace $0x80000049;
	[dreg:$0x1] =	wrdreg $0xFFFFFFFF  }
0xa7: {  	s28 =	simm.s32 $_size_execute0_lowered;
	s3 =	sadd.s32 s3, s5;
	[dreg:$0x0] =	wrdreg $0x0  }
0xa8: {  	s5 =	sshll.u32 s28, $0x1;
	[dreg:$0x2] =	wrdreg s3  }
0xa9: {  	[dreg:$0x3] =	wrdreg s5  }
0xaa: {  	[dreg:$0x4] =	wrdreg $0xC0  }
0xab: {  	_ =	task [dreg:s7], $0x5FFFF  }
0xac: {  	[dreg:$0x1] =	wrdreg $0xFFFFFFFF  }
0xad: {  	[dreg:$0x0] =	wrdreg $0x60  }
0xae: {  	[dreg:$0x2] =	wrdreg s24  }
0xaf: {  	[dreg:$0x3] =	wrdreg s2  }
0xb0: {  	[dreg:$0x4] =	wrdreg $0x9  }
0xb1: {  	_ =	task.clear_ibuf [dreg:s7], $0x5FFFF;
	_ =	strace $0x90000049  }
0xb2: {  	s29 =	simm.s32 $0x9;
	_ =	strace $0x8000004B  }
0xb3: {  	_ =	swait.ge [sflag:s29], $0x1  }
0xb4: {  	[sflag:s29] =	ssyncadd.s32 $0xFFFFFFFF  }
0xb5: {  	_ =	strace $0x9000004B  }
0xb6: {  	_ =	sfence  }
0xb7: {  	s30 =	sld [smem:$0x0];
	_ =	sdelay $0x2  }
0xb8: {  	s31 =	sshll.u32 s1, $0xD;
	s1 =	sshrl.u32 s1, $0x2  }
0xb9: {  	s3 =	sand.u32 $0x4000, s31;
	s1 =	sadd.s32 s1, s30  }
0xba: {  	s0 =	sor.u32 s3, s0;
	s1 =	sshll.u32 s1, $0x11  }
0xbb: {  	s0 =	sor.u32 s1, s0  }
0xbc: {  	s0 =	sadd.s32 $0x8F2B, s0  }
0xbd: {  	[sflag:s0] =	ssyncadd.remote.s32 $0x1  }
0xbe: {  	_ =	sfence.sel $0xFFFF  }
0xbf: {  	[dreg:$0x0] =	wrdreg $0xFFFFFFFF;
	(pc) =	sbr.abs _section_cstart, $3  }
0xc0: {  	[dreg:$0x1] =	wrdreg $0xFFFFFFFF  }
0xc1: {  	_ =	task.clear_ibuf [dreg:s7], $0x2FFFF;
	_ =	strace $0x9FFFFFFF  }
0xc2: {  	(tm) =	ssettm $0x7FFFFFFF  }
0xc3: {  	_ =	shalt  }
tec
execute0_lowered:
.L_overlay_start_1:
0x0: {  	(tag) =	ssettag $0x1  }
0x1: {  	s1 =	srdreg.scid  }
0x2: {  	s0 =	stileid.u32;
	s2 =	rddreg [dreg:$0x0];
	s1 =	sshll.u32 s1, $0x5  }
0x3: {  	s3 =	rddreg [dreg:$0x1];
	s4 =	sshll.u32 s0, $0x6;
	s1 =	sand.u32 $0x20, s1  }
0x4: {  	s6 =	simm.s32 $0x1;
	s30 =	simm.s32 $0x2;
	s4 =	sor.u32 s4, s1  }
0x5: {  	s31 =	simm.s32 $0x3;
	s11 =	simm.s32 $0x0;
	s5 =	ssub.s32 $0x800, s4  }
0x6: {  	s8 =	simm.s32 $0x0;
	s9 =	simm.s32 $0x0;
	s7 =	sand.u32 $0x3E0, s5  }
0x7: {  	s1 =	rddreg [dreg:$0x2];
	_ =	strace $0x8000004A;
	p0 =	sne.s32 s7, $0x0  }
0x8: {  	[sflag:s6] =	ssyncpa.u1 $0x0;
	s5 =	sshrl.u32 s5, $0xA;
	s6 =	simm.s32 @!p0 $0x0  }
0x9: {  	s10 =	smov.u32 s4;
	[sflag:s30] =	ssyncpa.u1 $0x0;
	s5 =	sadd.s32 s6, s5  }
0xa: {  	[sflag:s31] =	ssyncpa.u1 $0x0;
	s6 =	sadd.s32 $0x200, s2;
	s7 =	sadd.s32 $0x1, s5  }
.LBB2_1:
0xb: {  	p0 =	sge.u32 s9, s5  }
0xc: {  	s31 =	sadd.s32 $0xFFFFFFFF, s9;
	s12 =	sxor.u32 @!p0 $0xFFFFFFFF, s8;
	s13 =	sshrl.u32 @!p0 s10, $0x3  }
0xd: {  	s14 =	sand.u32 @!p0 $0x7, s10;
	s12 =	sand.u32 @!p0 $0x20, s12;
	s13 =	sadd.s32 @!p0 s2, s13  }
0xe: {  	[tilespmem:s12], [sflag:$0x2] =	stream.linear.gather @!p0 [hbm4b:s13+s14], $0x20, $0x38;
	[tilespmem:$0x80] =	vst v63  }
0xf: {  	p0 =	sge.u32 s31, s5  }
0x10: {  	s12 =	simm.s32 @!p0 $0x2  }
0x11: {  	_ =	swait.ge @!p0 [sflag:s12], $0x20  }
0x12: {  	[sflag:s12] =	ssyncset.done @!p0 $0x0  }
0x13: {  	[sflag:s12] =	ssyncadd.s32 @!p0 $0xFFFFFFE0;
	s12 =	sand.u32 @!p0 $0x20, s8  }
0x14: {  	(ifvalue) =	ssetifvalue @!p0 $0x7FFFFFFF;
	v0 =	vld.msk @!p0 [tilespmem:s12+$0x0 ss:$0x1], $0xffff;
	_ =	sdelay $0x4  }
0x15: {  	vm0 =	vgt.s32 @!p0 v0, $0x0  }
0x16: {  	v0 =	vnsel @!p0 vm0, $0x0, v0  }
0x17: {  	v0 =	vmin.u32 @!p0 v0, $0x17FF;
	_ =	sdelay $0x2  }
0x18: {  	s14 =	simm.s32 @!p0 $0x0  }
0x19: {  	s13 =	sor.u32 @!p0 $0x40, s12;
	(ifvalue) =	ssetifvalue @!p0 $0x7FFFFFFF;
	s15 =	sor.u32 @!p0 $0x10, s12;
	vm0 =	vmmov @!p0 $0xffff  }
0x1a: {  	[tilespmem:s13], [sflag:$0x1] =	stream.indirect_vreg.gather @!p0 [hbm4b:s6+s14], $0x1, v0, vm0, $0x4038;
	[tilespmem:$0x80] =	vst v63  }
0x1b: {  	v0 =	vld.msk @!p0 [tilespmem:s15+$0x0 ss:$0x1], $0xffff;
	_ =	sdelay $0x4  }
0x1c: {  	vm1 =	vgt.s32 @!p0 v0, $0x0  }
0x1d: {  	v0 =	vnsel @!p0 vm1, $0x0, v0  }
0x1e: {  	v0 =	vmin.u32 @!p0 v0, $0x17FF;
	_ =	sdelay $0x3  }
0x1f: {  	s12 =	sor.u32 @!p0 $0x50, s12;
	(ifvalue) =	ssetifvalue @!p0 $0x7FFFFFFF  }
0x20: {  	[tilespmem:s12], [sflag:$0x1] =	stream.indirect_vreg.gather @!p0 [hbm4b:s6+s14], $0x1, v0, vm0, $0x4038;
	[tilespmem:$0x80] =	vst v63  }
0x21: {  	s12 =	simm.s32 @!p0 $0x1  }
0x22: {  	_ =	swait.ge @!p0 [sflag:s12], $0x20  }
0x23: {  	s14 =	sshrl.u32 @!p0 s11, $0x3;
	[sflag:s12] =	ssyncset.done @!p0 $0x0  }
0x24: {  	s11 =	sand.u32 @!p0 $0x7, s11;
	[sflag:s12] =	ssyncadd.s32 @!p0 $0xFFFFFFE0;
	s12 =	sadd.s32 @!p0 s3, s14  }
0x25: {  	[hbm4b:s12+s11] =	stream.linear.scatter @!p0 [tilespmem:s13], [sflag:$0x3], $0x20, $0x38;
	[tilespmem:$0x80] =	vst v63  }
0x26: {  	s13 =	sadd.s32 $0x400, s10  }
0x27: {  	p1 =	sgt.s32 s13, $0x7FF  }
0x28: {  	s13 =	smov.u32 @p1 s4;
	p1 =	sne.s32 s9, s7  }
.Ltmp0:
0x29: {  	p0 =	slt.u32 s9, $0x2;
	(pc) =	sbr.rel @p1 .LBB2_1-.Ltmp0, $4  }
0x2a: {  	s12 =	simm.s32 @!p0 $0x3  }
0x2b: {  	_ =	swait.ge @!p0 [sflag:s12], $0x20  }
0x2c: {  	s8 =	sadd.s32 $0x20, s8;
	s11 =	smov.u32 s10;
	[sflag:s12] =	ssyncset.done @!p0 $0x0  }
0x2d: {  	s9 =	sadd.s32 $0x1, s9;
	s10 =	smov.u32 s13;
	[sflag:s12] =	ssyncadd.s32 @!p0 $0xFFFFFFE0  }
0x2e: {  	_ =	sfence.sel $0x180000  }
0x2f: {  	s2 =	simm.s32 $0x2;
	[bflag:$0x0] =	sbarrier.arrive $0xFFFF  }
0x30: {  	s30 =	simm.s32 $0x3;
	[sflag:s2] =	ssyncpa.u1 $0x1  }
0x31: {  	s31 =	simm.s32 $0x1;
	[sflag:s30] =	ssyncpa.u1 $0x1  }
0x32: {  	[sflag:s31] =	ssyncpa.u1 $0x1  }
0x33: {  	p0 =	sne.s32 s0, $0x0;
	_ =	strace $0x9000004A  }
0x34: {  	s0 =	sadd.s32 @!p0 $0x100000, s1;
	[bflag:$0x2] =	sbarrier.arrive $0xFFFF  }
0x35: {  	[sflag:s0] =	ssyncadd.tile.s32 @!p0 $0x1;
	_ =	shalt  }
.Lfunc_end2:
_tile_overlayer_lowered:
.L_overlay_start_2:
0x36: {  	(tag) =	ssettag $0x2  }
0x37: {  	s0 =	rddreg [dreg:$0x0];
	s2 =	stileid.u32  }
0x38: {  	s1 =	rddreg [dreg:$0x1];
	p0 =	sne.s32 s2, $0x0  }
0x39: {  	s3 =	rddreg [dreg:$0x2];
	[bflag:$0x3] =	sbarrier.arrive $0xFFFF;
	s2 =	simm.s32 @!p0 $0x1C01  }
0x3a: {  	[timem:s3], [sflag:s2] =	dma.local @!p0 [hbm:s0], s1  }
0x3b: {  	s0 =	simm.s32 @!p0 $0x1  }
0x3c: {  	_ =	swait.ge @!p0 [sflag:s0], s1  }
0x3d: {  	s1 =	ssub.s32 @!p0 $0x0, s1;
	[sflag:s0] =	ssyncset.done @!p0 $0x0  }
0x3e: {  	[sflag:s0] =	ssyncadd.s32 @!p0 s1  }
0x3f: {  	[bflag:$0x3] =	sbarrier.arrive $0xFFFF  }
0x40: {  	_ =	shalt  }

// kernel: kernel.4.cloned.1.call-start
scs
__scs_entry_jumppad:
0x0: {  	(pc) =	sbr.rel $0x88, $3  }
0x1: {  	(tag) =	ssettag $0x0;
	lr =	simm.s32 $0x1  }
0x2: {  	[smem:$0x3F9D] =	sst lr;
	_ =	strace $0xD0000000  }
0x3: {  	_ = 	snop  }
0x4: {  	_ = 	snop  }
0x5: {  	_ = 	snop  }
0x6: {  	_ = 	snop  }
0x7: {  	_ = 	snop  }
__scs_overlays_trampoline_lowered:
0x8: {  	[smem:$0x3FAC] =	sst s0  }
0x9: {  	[smem:$0x3FAD] =	sst s1  }
0xa: {  	[smem:$0x3FAE] =	sst s2  }
0xb: {  	[smem:$0x3FAF] =	sst s3  }
0xc: {  	[smem:$0x3FB0] =	sst s4  }
0xd: {  	[smem:$0x3FB1] =	sst s5  }
0xe: {  	[smem:$0x3FB2] =	sst s6  }
0xf: {  	[smem:$0x3FB3] =	sst s7  }
0x10: {  	[smem:$0x3FB4] =	sst s8  }
0x11: {  	[smem:$0x3FB5] =	sst s9;
	s0 =	simm.s32 @!p0 $0x0  }
0x12: {  	s1 =	sld [smem:$0x3F9B];
	s0 =	simm.s32 @p0 $0x1  }
0x13: {  	[smem:$0x3FB6] =	sst s0;
	s0 =	simm.s32 @!p1 $0x0  }
0x14: {  	s2 =	sld [smem:$0x3F9A];
	s0 =	simm.s32 @p1 $0x1  }
0x15: {  	[smem:$0x3FB7] =	sst s0;
	s0 =	simm.s32 @!p2 $0x0  }
0x16: {  	s3 =	sld [smem:$0x3FDB];
	s0 =	simm.s32 @p2 $0x1  }
0x17: {  	s4 =	simm.s32 $0x1BF5;
	[smem:$0x3FB9] =	sst s0  }
0x18: {  	s0 =	sld [smem:$0x3F9C];
	_ =	swait.ge [sflag:s4], $0x0  }
0x19: {  	s7 =	sld [smem:$0x3F9D]  }
0x1a: {  	s8 =	sadd.s32 $0xFFFFE003, lr  }
0x1b: {  	s9 =	sadd.s32 $0xFFFFFEF7, lr;
	s5 =	simm.s32 $0xFFFFFFFF;
	p2 =	slt.u32 s8, $0xFFFFF086  }
0x1c: {  	p1 =	slt.u32 s9, $0xF7A;
	s5 =	simm.s32 @!p2 $0x0  }
0x1d: {  	s5 =	simm.s32 @p1 $0x1;
	p0 =	seq.s32 s7, s2  }
0x1e: {  	s7 =	smul.u32 @!p0 $0xF7A, s2;
	p2 =	seq.s32 @!p0 s5, $0x0  }
0x1f: {  	s9 =	smul.u32 $0xF7A, s1;
	s8 =	simm.s32 @!p0 $0x1BF5;
	p2 =	por !p2, p0  }
0x20: {  	[sflag:s8] =	ssyncset.s32 @!p0 $0xFFFFF086;
	s6 =	sadd.s32 @!p0 s3, s7;
	s7 =	simm.s32 @!p0 $0x108  }
0x21: {  	s3 =	sadd.s32 s3, s9;
	s6 =	sadd.s32 @!p0 $0x88, s6;
	s7 =	simm.s32 @p2 $0x1082  }
0x22: {  	[simem:s7], [sflag:s8] =	dma.local @!p0 [hbm:s6], $0xF7A  }
0x23: {  	s9 =	sor.u32 $0xD0000000, s2;
	s6 =	simm.s32 $0x108;
	_ =	swait.ge @!p0 [sflag:s8], $0x0  }
0x24: {  	s3 =	sadd.s32 $0x88, s3;
	s6 =	simm.s32 @!p1 $0x1082;
	[sflag:s4] =	ssyncset.s32 $0xFFFFF086  }
0x25: {  	[simem:s6], [sflag:s4] =	dma.local [hbm:s3], $0xF7A  }
0x26: {  	[smem:$0x3F9D] =	sst s1;
	(tag) =	ssettag s2;
	_ =	strace s9  }
0x27: {  	s1 =	sld [smem:$0x3FAD]  }
0x28: {  	s2 =	sld [smem:$0x3FAE]  }
0x29: {  	s4 =	sld [smem:$0x3FB0]  }
0x2a: {  	p0 =	seq.s32 s5, $0x0;
	s5 =	sld [smem:$0x3FB1]  }
0x2b: {  	s6 =	sld [smem:$0x3FB2]  }
0x2c: {  	s7 =	sld [smem:$0x3FB3]  }
0x2d: {  	s3 =	simm.s32 $0x108;
	s8 =	sld [smem:$0x3FB4]  }
0x2e: {  	s3 =	simm.s32 @!p0 $0x1082;
	s9 =	sld [smem:$0x3FB5]  }
0x2f: {  	lr =	sadd.s32 s0, s3;
	s0 =	sld [smem:$0x3FAC]  }
0x30: {  	s3 =	sld [smem:$0x3FAF]  }
0x31: {  	[smem:$0x3FB8] =	sst s10  }
0x32: {  	s10 =	sld [smem:$0x3FB6];
	_ =	sdelay $0x3  }
0x33: {  	p0 =	seq.s32 s10, $0x1;
	s10 =	sld [smem:$0x3FB8];
	_ =	sdelay $0x3  }
0x34: {  	[smem:$0x3FB8] =	sst s10  }
0x35: {  	s10 =	sld [smem:$0x3FB7];
	_ =	sdelay $0x3  }
0x36: {  	p1 =	seq.s32 s10, $0x1;
	s10 =	sld [smem:$0x3FB8];
	_ =	sdelay $0x3  }
0x37: {  	[smem:$0x3FB8] =	sst s10  }
0x38: {  	s10 =	sld [smem:$0x3FB9]  }
0x39: {  	_ = 	snop;
	(pc) =	sbr.ind lr, $3  }
0x3a: {  	_ = 	snop  }
0x3b: {  	_ = 	snop  }
0x3c: {  	p2 =	seq.s32 s10, $0x1;
	s10 =	sld [smem:$0x3FB8]  }
0x3d: {  	_ =	shalt  }
0x3e: {  	_ =	shalt  }
0x3f: {  	_ =	shalt  }
0x40: {  	_ =	shalt  }
0x41: {  	_ =	shalt  }
0x42: {  	_ =	shalt  }
0x43: {  	_ =	shalt  }
0x44: {  	_ =	shalt  }
0x45: {  	_ =	shalt  }
0x46: {  	_ =	shalt  }
0x47: {  	_ =	shalt  }
0x48: {  	_ =	shalt  }
0x49: {  	_ =	shalt  }
0x4a: {  	_ =	shalt  }
0x4b: {  	_ =	shalt  }
0x4c: {  	_ =	shalt  }
0x4d: {  	_ =	shalt  }
0x4e: {  	_ =	shalt  }
0x4f: {  	_ =	shalt  }
0x50: {  	_ =	shalt  }
0x51: {  	_ =	shalt  }
0x52: {  	_ =	shalt  }
0x53: {  	_ =	shalt  }
0x54: {  	_ =	shalt  }
0x55: {  	_ =	shalt  }
0x56: {  	_ =	shalt  }
0x57: {  	_ =	shalt  }
0x58: {  	_ =	shalt  }
0x59: {  	_ =	shalt  }
0x5a: {  	_ =	shalt  }
0x5b: {  	_ =	shalt  }
0x5c: {  	_ =	shalt  }
0x5d: {  	_ =	shalt  }
0x5e: {  	_ =	shalt  }
0x5f: {  	_ =	shalt  }
0x60: {  	_ =	shalt  }
0x61: {  	_ =	shalt  }
0x62: {  	_ =	shalt  }
0x63: {  	_ =	shalt  }
0x64: {  	_ =	shalt  }
0x65: {  	_ =	shalt  }
0x66: {  	_ =	shalt  }
0x67: {  	_ =	shalt  }
0x68: {  	_ =	shalt  }
0x69: {  	_ =	shalt  }
0x6a: {  	_ =	shalt  }
0x6b: {  	_ =	shalt  }
0x6c: {  	_ =	shalt  }
0x6d: {  	_ =	shalt  }
0x6e: {  	_ =	shalt  }
0x6f: {  	_ =	shalt  }
0x70: {  	_ =	shalt  }
0x71: {  	_ =	shalt  }
0x72: {  	_ =	shalt  }
0x73: {  	_ =	shalt  }
0x74: {  	_ =	shalt  }
0x75: {  	_ =	shalt  }
0x76: {  	_ =	shalt  }
0x77: {  	_ =	shalt  }
0x78: {  	_ =	shalt  }
0x79: {  	_ =	shalt  }
0x7a: {  	_ =	shalt  }
0x7b: {  	_ =	shalt  }
0x7c: {  	_ =	shalt  }
0x7d: {  	_ =	shalt  }
0x7e: {  	_ =	shalt  }
0x7f: {  	_ =	shalt  }
0x80: {  	_ =	shalt  }
0x81: {  	_ =	shalt  }
0x82: {  	_ =	shalt  }
0x83: {  	_ =	shalt  }
0x84: {  	_ =	shalt  }
0x85: {  	_ =	shalt  }
0x86: {  	_ =	shalt  }
0x87: {  	_ =	shalt  }
.Lfunc_end0:
.L_simem_size_0:
called_computation.1_lowered:
.L_overlay_start_0:
0x88: {  	s2 =	sld [smem:$0x3FD9]  }
0x89: {  	s3 =	sld [smem:$0x3FFE];
	_ =	sdelay $0x1  }
0x8a: {  	s1 =	srdreg.scid  }
0x8b: {  	s0 =	sand.u32 $0x1, s1  }
0x8c: {  	s17 =	sshll.u32 s0, $0xA;
	s2 =	sadd.s32 s3, s2  }
0x8d: {  	s2 =	sadd.s32 s2, s17  }
0x8e: {  	[smem:$0x3FC4] =	sst s2  }
0x8f: {  	_ = 	snop  }
0x90: {  	s2 =	sld [smem:$0x3FC9]  }
0x91: {  	s18 =	sld [smem:$0x3FD0];
	(tm) =	ssettm $0x1  }
0x92: {  	s4 =	sld [smem:$0x3FFB];
	_ =	sdelay $0x3  }
0x93: {  	_ =	strace s4  }
0x94: {  	s4 =	sld [smem:$0x3FFC];
	_ =	sdelay $0x3  }
0x95: {  	_ =	strace s4  }
0x96: {  	s4 =	sld [smem:$0x3FFD];
	_ =	sdelay $0x3  }
0x97: {  	_ =	strace s4  }
0x98: {  	_ =	strace $0x8FFFFFFF  }
0x99: {  	s19 =	sld [smem:$0x3FDB];
	_ =	sdelay $0x1  }
0x9a: {  	s5 =	simm.s32 $_scs_section_size  }
0x9b: {  	s6 =	simm.s32 $_size__tile_overlayer_lowered;
	s7 =	simm.s32 $_tile_overlayer_lowered  }
0x9c: {  	s22 =	simm.s32 $0x1BFF;
	s21 =	sshll.u32 s7, $0x1;
	s4 =	sadd.s32 s5, s19  }
0x9d: {  	s8 =	simm.s32 $0x0;
	s20 =	sshll.u32 s6, $0x1;
	s6 =	sadd.s32 s21, s4  }
0x9e: {  	[timem:s8], [sflag:s22] =	dma.local [hbm:s6], s20  }
0x9f: {  	_ =	swait.ge [sflag:s22], s20  }
0xa0: {  	s5 =	ssub.s32 $0x0, s20;
	[sflag:s22] =	ssyncset.done $0x0  }
0xa1: {  	[sflag:s22] =	ssyncadd.s32 s5;
	_ =	sdelay $0x1  }
0xa2: {  	s23 =	simm.s32 $0x1B8B  }
0xa3: {  	_ =	swait.ge [sflag:s23], $0x1  }
0xa4: {  	[sflag:s23] =	ssyncset.done $0x0  }
0xa5: {  	s25 =	simm.s32 $0x1B8E;
	s24 =	sld [smem:$0x3FFE];
	[sflag:s23] =	ssyncadd.s32 $0xFFFFFFFF  }
0xa6: {  	s26 =	simm.s32 $execute0_lowered;
	[smem:$0x3FD2] =	sst s25  }
0xa7: {  	s6 =	sshll.u32 s26, $0x1;
	_ =	strace $0x80000046;
	[dreg:$0x1] =	wrdreg $0xFFFFFFFF  }
0xa8: {  	s28 =	simm.s32 $_size_execute0_lowered;
	s4 =	sadd.s32 s4, s6;
	[dreg:$0x0] =	wrdreg $0x0  }
0xa9: {  	s6 =	sshll.u32 s28, $0x1;
	[dreg:$0x2] =	wrdreg s4  }
0xaa: {  	[dreg:$0x3] =	wrdreg s6  }
0xab: {  	[dreg:$0x4] =	wrdreg $0xC0  }
0xac: {  	_ =	task [dreg:s8], $0x5FFFF  }
0xad: {  	[dreg:$0x1] =	wrdreg $0xFFFFFFFF  }
0xae: {  	[dreg:$0x0] =	wrdreg $0x60  }
0xaf: {  	[dreg:$0x2] =	wrdreg s2  }
0xb0: {  	[dreg:$0x3] =	wrdreg s18  }
0xb1: {  	[dreg:$0x4] =	wrdreg s24  }
0xb2: {  	[dreg:$0x5] =	wrdreg $0x9  }
0xb3: {  	_ =	task.clear_ibuf [dreg:s8], $0x6FFFF;
	_ =	strace $0x90000046  }
0xb4: {  	s29 =	simm.s32 $0x9;
	_ =	strace $0x80000048  }
0xb5: {  	_ =	swait.ge [sflag:s29], $0x1  }
0xb6: {  	[sflag:s29] =	ssyncadd.s32 $0xFFFFFFFF  }
0xb7: {  	_ =	strace $0x90000048  }
0xb8: {  	_ =	sfence  }
0xb9: {  	s30 =	sld [smem:$0x0];
	_ =	sdelay $0x2  }
0xba: {  	s31 =	sshll.u32 s1, $0xD;
	s1 =	sshrl.u32 s1, $0x2  }
0xbb: {  	s3 =	sand.u32 $0x4000, s31;
	s1 =	sadd.s32 s1, s30  }
0xbc: {  	s0 =	sor.u32 s3, s0;
	s1 =	sshll.u32 s1, $0x11  }
0xbd: {  	s0 =	sor.u32 s1, s0  }
0xbe: {  	s0 =	sadd.s32 $0x8F2B, s0  }
0xbf: {  	[sflag:s0] =	ssyncadd.remote.s32 $0x1  }
0xc0: {  	_ =	sfence.sel $0xFFFF  }
0xc1: {  	[dreg:$0x0] =	wrdreg $0xFFFFFFFF;
	(pc) =	sbr.abs _section_cstart, $3  }
0xc2: {  	[dreg:$0x1] =	wrdreg $0xFFFFFFFF  }
0xc3: {  	_ =	task.clear_ibuf [dreg:s8], $0x2FFFF;
	_ =	strace $0x9FFFFFFF  }
0xc4: {  	(tm) =	ssettm $0x7FFFFFFF  }
0xc5: {  	_ =	shalt  }
tec
execute0_lowered:
.L_overlay_start_1:
0x0: {  	(tag) =	ssettag $0x1  }
0x1: {  	s1 =	rddreg [dreg:$0x0]  }
0x2: {  	s2 =	srdreg.scid;
	s3 =	rddreg [dreg:$0x1]  }
0x3: {  	s0 =	stileid.u32;
	s6 =	rddreg [dreg:$0x2];
	s15 =	simm.s32 $0x880  }
0x4: {  	s16 =	simm.s32 $0x1080;
	s17 =	simm.s32 $0x1880;
	s19 =	simm.s32 $0x2080  }
0x5: {  	s21 =	simm.s32 $0x2880;
	s4 =	sand.u32 $0x1, s2;
	s2 =	simm.s32 $0x0  }
0x6: {  	s22 =	simm.s32 $0x3080;
	s23 =	simm.s32 $0x3880;
	[smem:$0x7FF] =	sst s2  }
0x7: {  	s24 =	simm.s32 $0x4080;
	_ =	strace $0x80000047;
	[dreg:$0x6] =	wrdreg s15  }
0x8: {  	s25 =	simm.s32 $0x4880;
	s8 =	simm.s32 $0x2;
	[dreg:$0x7] =	wrdreg s16  }
0x9: {  	s26 =	simm.s32 $0x5080;
	s9 =	simm.s32 $0x80;
	[dreg:$0x8] =	wrdreg s17  }
0xa: {  	s11 =	simm.s32 $0x6080;
	s12 =	simm.s32 $0x6880;
	[dreg:$0x9] =	wrdreg s19  }
0xb: {  	s13 =	simm.s32 $0x7080;
	s14 =	simm.s32 $0x7880;
	[dreg:$0xa] =	wrdreg s21  }
0xc: {  	s28 =	simm.s32 $0xE080;
	s29 =	simm.s32 $0xE880;
	[dreg:$0xb] =	wrdreg s22  }
0xd: {  	s30 =	simm.s32 $0xF080;
	s31 =	simm.s32 $0xF880;
	[dreg:$0xc] =	wrdreg s23  }
0xe: {  	s5 =	sshll.u32 s0, $0x7;
	s7 =	sshll.u32 s4, $0x6;
	[dreg:$0xd] =	wrdreg s24  }
0xf: {  	s4 =	ssub.s32 $0x2, s4;
	s5 =	sor.u32 s7, s5;
	[dreg:$0xe] =	wrdreg s25  }
0x10: {  	s18 =	sshrl.u32 s4, $0x1;
	[dreg:$0xf] =	wrdreg s26;
	s15 =	simm.s32 $0x8080  }
0x11: {  	s16 =	simm.s32 $0x8880;
	s17 =	simm.s32 $0x9080;
	s19 =	simm.s32 $0xA080  }
0x12: {  	s21 =	simm.s32 $0xB080;
	s22 =	simm.s32 $0xB880;
	s23 =	simm.s32 $0xC080  }
0x13: {  	s24 =	simm.s32 $0xC880;
	s25 =	simm.s32 $0xD080;
	s26 =	simm.s32 $0xD880  }
0x14: {  	s7 =	sshrl.u32 s5, $0x3;
	s5 =	sshll.u32 s5, $0x7;
	s20 =	ssub.s32 s4, s18  }
0x15: {  	s4 =	sadd.s32 $0x300, s6;
	s18 =	simm.s32 $0x9880;
	s3 =	sadd.s32 s3, s7  }
0x16: {  	v2 =	vlaneseq.u32;
	s1 =	sadd.s32 s1, s5;
	s5 =	sadd.s32 $0x400, s6;
	[dreg:$0x4] =	wrdreg s3  }
0x17: {  	vm0 =	vmmov $0xffff;
	v1 =	vshrl.u32 v2, $0x3;
	s7 =	smax.u32 s20, $0x1;
	s20 =	simm.s32 $0xA880;
	[dreg:$0x5] =	wrdreg s1  }
0x18: {  	v0 =	vand.u32 $0x7, v2;
	v2 =	vor.u32 $0x8, v2;
	v1 =	vmul.u32 $0x8, v1;
	s3 =	sadd.s32 $0x200, s6;
	s6 =	sadd.s32 $0x500, s6;
	s1 =	simm.s32 $0x1  }
.LBB2_1:
0x19: {  	s0 =	rddreg [dreg:$0x4]  }
0x1a: {  	[tilespmem:s2], [sflag:$0x2] =	stream.linear.gather [hbm4b:s0+s2], $0x40, $0x38;
	[tilespmem:$0x10080] =	vst v63  }
0x1b: {  	_ =	swait.ge [sflag:s8], $0x40  }
0x1c: {  	[sflag:s8] =	ssyncset.done $0x0  }
0x1d: {  	s10 =	rddreg [dreg:$0x5];
	[sflag:s8] =	ssyncadd.s32 $0xFFFFFFC0  }
0x1e: {  	[tilespmem:s9], [sflag:$0x2] =	stream.linear.gather [hbm4b:s10+s2], $0x10000, $0x38;
	[tilespmem:$0x10080] =	vst v63  }
0x1f: {  	_ =	swait.ge [sflag:s8], $0x10000  }
0x20: {  	[sflag:s8] =	ssyncset.done $0x0  }
0x21: {  	[sflag:s8] =	ssyncadd.s32 $0xFFFF0000  }
0x22: {  	v3 =	vld [tilespmem:$0x0];
	_ =	sdelay $0x4  }
0x23: {  	v4 =	vshll.u32 v3, $0x3  }
0x24: {  	v3 =	vand.u32 $0x7, v3;
	v4 =	vand.u32 $0xFFFFFFC0, v4  }
0x25: {  	v3 =	vor.u32 v3, v4  }
0x26: {  	v4 =	vperm.xlane v3, v0;
	_ =	sdelay $0x1  }
0x27: {  	v4 =	vadd.s32 v1, v4;
	_ =	sdelay $0x4  }
0x28: {  	[hbm4b:s3+s2] =	stream.indirect_vreg.scatter [tilespmem:s9], [sflag:$0x1], $0x80, v4, vm0, $0xb8;
	[tilespmem:$0x10080] =	vst v63  }
0x29: {  	s0 =	rddreg [dreg:$0x6];
	v3 =	vperm.xlane v3, v2  }
0x2a: {  	[hbm4b:s4+s2] =	stream.indirect_vreg.scatter [tilespmem:s0], [sflag:$0x1], $0x80, v4, vm0, $0xb8;
	[tilespmem:$0x10080] =	vst v63  }
0x2b: {  	s10 =	rddreg [dreg:$0x7];
	v3 =	vadd.s32 v1, v3  }
0x2c: {  	[hbm4b:s5+s2] =	stream.indirect_vreg.scatter [tilespmem:s10], [sflag:$0x1], $0x80, v4, vm0, $0xb8;
	[tilespmem:$0x10080] =	vst v63  }
0x2d: {  	s0 =	rddreg [dreg:$0x8]  }
0x2e: {  	[hbm4b:s6+s2] =	stream.indirect_vreg.scatter [tilespmem:s0], [sflag:$0x1], $0x80, v4, vm0, $0xb8;
	[tilespmem:$0x10080] =	vst v63  }
0x2f: {  	s10 =	rddreg [dreg:$0x9]  }
0x30: {  	[hbm4b:s3+s2] =	stream.indirect_vreg.scatter [tilespmem:s10], [sflag:$0x1], $0x80, v3, vm0, $0xb8;
	[tilespmem:$0x10080] =	vst v63  }
0x31: {  	s0 =	rddreg [dreg:$0xa]  }
0x32: {  	[hbm4b:s4+s2] =	stream.indirect_vreg.scatter [tilespmem:s0], [sflag:$0x1], $0x80, v3, vm0, $0xb8;
	[tilespmem:$0x10080] =	vst v63  }
0x33: {  	s10 =	rddreg [dreg:$0xb]  }
0x34: {  	[hbm4b:s5+s2] =	stream.indirect_vreg.scatter [tilespmem:s10], [sflag:$0x1], $0x80, v3, vm0, $0xb8;
	[tilespmem:$0x10080] =	vst v63  }
0x35: {  	s0 =	rddreg [dreg:$0xc]  }
0x36: {  	[hbm4b:s6+s2] =	stream.indirect_vreg.scatter [tilespmem:s0], [sflag:$0x1], $0x80, v3, vm0, $0xb8;
	[tilespmem:$0x10080] =	vst v63  }
0x37: {  	v3 =	vld [tilespmem:$0x10];
	_ =	sdelay $0x4  }
0x38: {  	v61 =	vshll.u32 v3, $0x3  }
0x39: {  	v3 =	vand.u32 $0x7, v3;
	v4 =	vand.u32 $0xFFFFFFC0, v61  }
0x3a: {  	v3 =	vor.u32 v3, v4  }
0x3b: {  	v4 =	vperm.xlane v3, v0;
	_ =	sdelay $0x1  }
0x3c: {  	v4 =	vadd.s32 v1, v4;
	_ =	sdelay $0x3  }
0x3d: {  	s0 =	rddreg [dreg:$0xd]  }
0x3e: {  	[hbm4b:s3+s2] =	stream.indirect_vreg.scatter [tilespmem:s0], [sflag:$0x1], $0x80, v4, vm0, $0xb8;
	[tilespmem:$0x10080] =	vst v63  }
0x3f: {  	s10 =	rddreg [dreg:$0xe];
	v3 =	vperm.xlane v3, v2  }
0x40: {  	[hbm4b:s4+s2] =	stream.indirect_vreg.scatter [tilespmem:s10], [sflag:$0x1], $0x80, v4, vm0, $0xb8;
	[tilespmem:$0x10080] =	vst v63  }
0x41: {  	v3 =	vadd.s32 v1, v3;
	s0 =	rddreg [dreg:$0xf]  }
0x42: {  	[hbm4b:s5+s2] =	stream.indirect_vreg.scatter [tilespmem:s0], [sflag:$0x1], $0x80, v4, vm0, $0xb8;
	[tilespmem:$0x10080] =	vst v63  }
0x43: {  	s10 =	simm.s32 $0x5880  }
0x44: {  	[hbm4b:s6+s2] =	stream.indirect_vreg.scatter [tilespmem:s10], [sflag:$0x1], $0x80, v4, vm0, $0xb8;
	[tilespmem:$0x10080] =	vst v63  }
0x45: {  	_ = 	snop  }
0x46: {  	[hbm4b:s3+s2] =	stream.indirect_vreg.scatter [tilespmem:s11], [sflag:$0x1], $0x80, v3, vm0, $0xb8;
	[tilespmem:$0x10080] =	vst v63  }
0x47: {  	_ = 	snop  }
0x48: {  	[hbm4b:s4+s2] =	stream.indirect_vreg.scatter [tilespmem:s12], [sflag:$0x1], $0x80, v3, vm0, $0xb8;
	[tilespmem:$0x10080] =	vst v63  }
0x49: {  	_ = 	snop  }
0x4a: {  	[hbm4b:s5+s2] =	stream.indirect_vreg.scatter [tilespmem:s13], [sflag:$0x1], $0x80, v3, vm0, $0xb8;
	[tilespmem:$0x10080] =	vst v63  }
0x4b: {  	_ = 	snop  }
0x4c: {  	[hbm4b:s6+s2] =	stream.indirect_vreg.scatter [tilespmem:s14], [sflag:$0x1], $0x80, v3, vm0, $0xb8;
	[tilespmem:$0x10080] =	vst v63  }
0x4d: {  	v3 =	vld [tilespmem:$0x20];
	_ =	sdelay $0x4  }
0x4e: {  	v62 =	vshll.u32 v3, $0x3  }
0x4f: {  	v3 =	vand.u32 $0x7, v3;
	v4 =	vand.u32 $0xFFFFFFC0, v62  }
0x50: {  	v3 =	vor.u32 v3, v4  }
0x51: {  	v4 =	vperm.xlane v3, v0;
	_ =	sdelay $0x1  }
0x52: {  	v4 =	vadd.s32 v1, v4;
	_ =	sdelay $0x4  }
0x53: {  	[hbm4b:s3+s2] =	stream.indirect_vreg.scatter [tilespmem:s15], [sflag:$0x1], $0x80, v4, vm0, $0xb8;
	[tilespmem:$0x10080] =	vst v63  }
0x54: {  	v3 =	vperm.xlane v3, v2  }
0x55: {  	[hbm4b:s4+s2] =	stream.indirect_vreg.scatter [tilespmem:s16], [sflag:$0x1], $0x80, v4, vm0, $0xb8;
	[tilespmem:$0x10080] =	vst v63  }
0x56: {  	v3 =	vadd.s32 v1, v3  }
0x57: {  	[hbm4b:s5+s2] =	stream.indirect_vreg.scatter [tilespmem:s17], [sflag:$0x1], $0x80, v4, vm0, $0xb8;
	[tilespmem:$0x10080] =	vst v63  }
0x58: {  	_ = 	snop  }
0x59: {  	[hbm4b:s6+s2] =	stream.indirect_vreg.scatter [tilespmem:s18], [sflag:$0x1], $0x80, v4, vm0, $0xb8;
	[tilespmem:$0x10080] =	vst v63  }
0x5a: {  	_ = 	snop  }
0x5b: {  	[hbm4b:s3+s2] =	stream.indirect_vreg.scatter [tilespmem:s19], [sflag:$0x1], $0x80, v3, vm0, $0xb8;
	[tilespmem:$0x10080] =	vst v63  }
0x5c: {  	_ = 	snop  }
0x5d: {  	[hbm4b:s4+s2] =	stream.indirect_vreg.scatter [tilespmem:s20], [sflag:$0x1], $0x80, v3, vm0, $0xb8;
	[tilespmem:$0x10080] =	vst v63  }
0x5e: {  	_ = 	snop  }
0x5f: {  	[hbm4b:s5+s2] =	stream.indirect_vreg.scatter [tilespmem:s21], [sflag:$0x1], $0x80, v3, vm0, $0xb8;
	[tilespmem:$0x10080] =	vst v63  }
0x60: {  	_ = 	snop  }
0x61: {  	[hbm4b:s6+s2] =	stream.indirect_vreg.scatter [tilespmem:s22], [sflag:$0x1], $0x80, v3, vm0, $0xb8;
	[tilespmem:$0x10080] =	vst v63  }
0x62: {  	v3 =	vld [tilespmem:$0x30];
	_ =	sdelay $0x4  }
0x63: {  	v63 =	vshll.u32 v3, $0x3  }
0x64: {  	v3 =	vand.u32 $0x7, v3;
	v4 =	vand.u32 $0xFFFFFFC0, v63  }
0x65: {  	v3 =	vor.u32 v3, v4  }
0x66: {  	v4 =	vperm.xlane v3, v0;
	_ =	sdelay $0x1  }
0x67: {  	v4 =	vadd.s32 v1, v4;
	_ =	sdelay $0x4  }
0x68: {  	[hbm4b:s3+s2] =	stream.indirect_vreg.scatter [tilespmem:s23], [sflag:$0x1], $0x80, v4, vm0, $0xb8;
	[tilespmem:$0x10080] =	vst v63  }
0x69: {  	v3 =	vperm.xlane v3, v2  }
0x6a: {  	[hbm4b:s4+s2] =	stream.indirect_vreg.scatter [tilespmem:s24], [sflag:$0x1], $0x80, v4, vm0, $0xb8;
	[tilespmem:$0x10080] =	vst v63  }
0x6b: {  	v3 =	vadd.s32 v1, v3  }
0x6c: {  	[hbm4b:s5+s2] =	stream.indirect_vreg.scatter [tilespmem:s25], [sflag:$0x1], $0x80, v4, vm0, $0xb8;
	[tilespmem:$0x10080] =	vst v63  }
0x6d: {  	_ = 	snop  }
0x6e: {  	[hbm4b:s6+s2] =	stream.indirect_vreg.scatter [tilespmem:s26], [sflag:$0x1], $0x80, v4, vm0, $0xb8;
	[tilespmem:$0x10080] =	vst v63  }
0x6f: {  	_ = 	snop  }
0x70: {  	[hbm4b:s3+s2] =	stream.indirect_vreg.scatter [tilespmem:s28], [sflag:$0x1], $0x80, v3, vm0, $0xb8;
	[tilespmem:$0x10080] =	vst v63  }
0x71: {  	_ = 	snop  }
0x72: {  	[hbm4b:s4+s2] =	stream.indirect_vreg.scatter [tilespmem:s29], [sflag:$0x1], $0x80, v3, vm0, $0xb8;
	[tilespmem:$0x10080] =	vst v63  }
0x73: {  	p0 =	sne.s32 s7, $0x1  }
0x74: {  	[hbm4b:s5+s2] =	stream.indirect_vreg.scatter [tilespmem:s30], [sflag:$0x1], $0x80, v3, vm0, $0xb8;
	[tilespmem:$0x10080] =	vst v63  }
.Ltmp0:
0x75: {  	_ = 	snop;
	(pc) =	sbr.rel @p0 .LBB2_1-.Ltmp0, $4  }
0x76: {  	[hbm4b:s6+s2] =	stream.indirect_vreg.scatter [tilespmem:s31], [sflag:$0x1], $0x80, v3, vm0, $0xb8;
	[tilespmem:$0x10080] =	vst v63  }
0x77: {  	_ =	swait.ge [sflag:s1], $0x10000  }
0x78: {  	[sflag:s1] =	ssyncset.done $0x0  }
0x79: {  	s7 =	sadd.s32 $0xFFFFFFFF, s7;
	[sflag:s1] =	ssyncadd.s32 $0xFFFF0000  }
0x7a: {  	_ =	sfence.sel $0x180000  }
0x7b: {  	[bflag:$0x0] =	sbarrier.arrive $0xFFFF  }
0x7c: {  	_ =	strace $0x90000047  }
0x7d: {  	s0 =	stileid.u32;
	[bflag:$0x2] =	sbarrier.arrive $0xFFFF  }
0x7e: {  	p0 =	sne.s32 s0, $0x0;
	s0 =	rddreg [dreg:$0x3]  }
0x7f: {  	s0 =	sadd.s32 @!p0 $0x100000, s0  }
0x80: {  	[sflag:s0] =	ssyncadd.tile.s32 @!p0 $0x1;
	_ =	shalt  }
.Lfunc_end2:
_tile_overlayer_lowered:
.L_overlay_start_2:
0x81: {  	(tag) =	ssettag $0x2  }
0x82: {  	s0 =	rddreg [dreg:$0x0];
	s2 =	stileid.u32  }
0x83: {  	s1 =	rddreg [dreg:$0x1];
	p0 =	sne.s32 s2, $0x0  }
0x84: {  	s3 =	rddreg [dreg:$0x2];
	[bflag:$0x3] =	sbarrier.arrive $0xFFFF;
	s2 =	simm.s32 @!p0 $0x1C02  }
0x85: {  	[timem:s3], [sflag:s2] =	dma.local @!p0 [hbm:s0], s1  }
0x86: {  	s0 =	simm.s32 @!p0 $0x2  }
0x87: {  	_ =	swait.ge @!p0 [sflag:s0], s1  }
0x88: {  	s1 =	ssub.s32 @!p0 $0x0, s1;
	[sflag:s0] =	ssyncset.done @!p0 $0x0  }
0x89: {  	[sflag:s0] =	ssyncadd.s32 @!p0 s1  }
0x8a: {  	[bflag:$0x3] =	sbarrier.arrive $0xFFFF  }
0x8b: {  	_ =	shalt  }

</sc_bundles>
